<compile_context>
chip_gen: v7x
topology: tpu7x:2x2x1
jax: 0.10.2.dev20260603
libtpu: 0.0.44.dev20260713+nightly
codegen_flags: <defaults>
</compile_context>

<pallas_src>
import dataclasses
import functools

import jax
import jax.numpy as jnp
from jax import lax
from jax.experimental import pallas as pl
from jax.experimental.pallas import tpu as pltpu
from jax.experimental.pallas import tpu_sc as plsc

LANES = 16
ROWS_PER_BLOCK = 16
NUM_WORKERS = 32


def _densify(scat_idx, w_r, num_blocks, block_elems):
    k_steps = scat_idx.shape[0] // (num_blocks * LANES)
    blocks_per_worker = num_blocks // NUM_WORKERS
    mesh = plsc.VectorSubcoreMesh(
        core_axis_name="c", subcore_axis_name="s", num_cores=2,
        num_subcores=16)

    in_f = block_elems // ROWS_PER_BLOCK
    cp = pltpu.CompilerParams()
    if "needs_layout_passes" in pltpu.CompilerParams.__dataclass_fields__:
        cp = dataclasses.replace(cp, needs_layout_passes=False)

    row_elems = k_steps * LANES

    @functools.partial(
        pl.kernel,
        out_type=jax.ShapeDtypeStruct((num_blocks * ROWS_PER_BLOCK, in_f),
                                      jnp.float32),
        mesh=mesh,
        compiler_params=cp,
        scratch_types=[
            pltpu.VMEM((ROWS_PER_BLOCK, in_f), jnp.float32),
            pltpu.VMEM((ROWS_PER_BLOCK, in_f), jnp.float32),
            pltpu.VMEM((blocks_per_worker * row_elems,), jnp.int32),
            pltpu.VMEM((blocks_per_worker * row_elems,), jnp.float32),
            pltpu.SemaphoreType.DMA,
            pltpu.SemaphoreType.DMA,
        ],
    )
    def sc_kernel(scat_hbm, w_hbm, out_hbm, buf0, buf1, idx_v, w_v, s0, s1):
        wid = lax.axis_index("s") * 2 + lax.axis_index("c")
        zeros16 = jnp.zeros((LANES,), jnp.float32)
        lane = lax.iota(jnp.int32, LANES)
        cols = [lane * k_steps + kk for kk in range(k_steps)]
        bufs, sems = (buf0, buf1), (s0, s1)
        base = wid * blocks_per_worker * row_elems

        c_idx = pltpu.async_copy(
            scat_hbm.at[pl.ds(base, blocks_per_worker * row_elems)], idx_v, s0)
        c_w = pltpu.async_copy(
            w_hbm.at[pl.ds(base, blocks_per_worker * row_elems)], w_v, s1)

        def memset(bb):
            @pl.loop(0, ROWS_PER_BLOCK)
            def _(r, bb=bb):
                @pl.loop(0, in_f, step=8 * LANES)
                def _(i, bb=bb, r=r):
                    for u in range(8):
                        bufs[bb][r, pl.ds(i + u * LANES, LANES)] = zeros16

        memset(0)
        c_idx.wait()
        c_w.wait()

        out_copies = [None, None]
        for j in range(blocks_per_worker):
            buf, sem = bufs[j % 2], sems[j % 2]
            if j == 1:
                memset(1)
            if out_copies[j % 2] is not None:
                out_copies[j % 2].wait()
                for kk in range(k_steps):
                    off = (j - 2) * row_elems
                    iv = plsc.load_gather(idx_v, [cols[kk] + off])
                    plsc.store_scatter(buf, [lane, iv], zeros16)
            for kk in range(k_steps):
                off = j * row_elems
                iv = plsc.load_gather(idx_v, [cols[kk] + off])
                wv = plsc.load_gather(w_v, [cols[kk] + off])
                plsc.addupdate_scatter(buf, [lane, iv], wv)
            b = wid * blocks_per_worker + j
            out_copies[j % 2] = pltpu.async_copy(
                buf, out_hbm.at[pl.ds(b * ROWS_PER_BLOCK, ROWS_PER_BLOCK), :],
                sem)
        for c in out_copies:
            if c is not None:
                c.wait()

    return sc_kernel(scat_idx, w_r)


def _matmul_bias(x2d, wt, bias2d):
    m, kdim = x2d.shape
    o_dim = wt.shape[0]
    bm, bn = 1024, 1024

    def body(x_ref, w_ref, b_ref, o_ref):
        acc = lax.dot_general(
            x_ref[...], w_ref[...].astype(jnp.bfloat16),
            (((1,), (1,)), ((), ())),
            preferred_element_type=jnp.float32,
            precision=lax.Precision.DEFAULT,
        )
        o_ref[...] = acc + b_ref[...]

    return pl.pallas_call(
        body,
        grid=(o_dim // bn, m // bm),
        in_specs=[
            pl.BlockSpec((bm, kdim), lambda j, i: (i, 0)),
            pl.BlockSpec((bn, kdim), lambda j, i: (j, 0)),
            pl.BlockSpec((1, bn), lambda j, i: (0, j)),
        ],
        out_specs=pl.BlockSpec((bm, bn), lambda j, i: (i, j)),
        out_shape=jax.ShapeDtypeStruct((m, o_dim), jnp.float32),
    )(x2d, wt, bias2d)


def kernel(x, in_index_per_out, weight, bias):
    out_f, k = in_index_per_out.shape
    in_f = x.shape[-1]
    x2d = x.reshape(-1, in_f)
    num_blocks = out_f // ROWS_PER_BLOCK
    block_elems = ROWS_PER_BLOCK * in_f

    idx_r = in_index_per_out.astype(jnp.int32).reshape(-1)
    w_r = weight.reshape(-1)

    wt = _densify(idx_r, w_r, num_blocks, block_elems)
    out = _matmul_bias(x2d.astype(jnp.bfloat16), wt, bias.reshape(1, out_f))
    return out.reshape(*x.shape[:-1], out_f)

# --- scband reference (transcript-rebuilt; emitter-appended) ---
"""Pipeline reference for scband-chunked-geo-sparse-linear-27762668601602 (READ-ONLY COPY).

The authoritative reference and input builder live on the scoring server;
editing this copy changes nothing except your own understanding.
"""

import jax, jax.numpy as jnp
import numpy as np

IN_FEATURES = 2048
OUT_FEATURES = 2048
K = 16


def setup_inputs(seed: int = 0) -> dict:
    key = jax.random.key(seed)
    k1, k2, k3, k4 = jax.random.split(key, 4)
    x = jax.random.normal(k1, (1, 2048, IN_FEATURES), dtype=jnp.float32)
    in_index_per_out = jax.random.randint(k2, (OUT_FEATURES, K), 0, IN_FEATURES, dtype=jnp.int64 if jax.config.jax_enable_x64 else jnp.int32)
    # kaiming_uniform_(a=sqrt(5)) on weight (out, k): gain=sqrt(2/(1+5)), bound=gain*sqrt(3/fan_in)=1/sqrt(k)
    wbound = 1.0 / np.sqrt(K)
    weight = jax.random.uniform(k3, (OUT_FEATURES, K), minval=-wbound, maxval=wbound, dtype=jnp.float32)
    bbound = 1.0 / np.sqrt(K)
    bias = jax.random.uniform(k4, (OUT_FEATURES,), minval=-bbound, maxval=bbound, dtype=jnp.float32)
    return {"x": x, "in_index_per_out": in_index_per_out, "weight": weight, "bias": bias}


def reference(x, in_index_per_out, weight, bias):
    # compute_mode='gather'. chunk_size only bounds peak memory in the torch
    # version; the math is identical to the unchunked gather path.
    batch_shape = x.shape[:-1]
    x2d = x.reshape(-1, x.shape[-1])                      # (N, in_features)
    gathered = x2d[:, in_index_per_out]                   # (N, out_features, k) gather
    out = (gathered * weight[None, :, :]).sum(axis=-1)    # segment-style reduce over k
    out = out + bias
    return out.reshape(*batch_shape, weight.shape[0])

if __name__ == "__main__":
    import jax
    _d = setup_inputs()
    print(jax.jit(kernel)(*tuple(_d.values())))

</pallas_src>

<mosaic_0001>
#map = affine_map<(d0, d1) -> (0)>
#map1 = affine_map<(d0, d1) -> (0, 0)>
module attributes {stable_mosaic.version = 14 : i64} {
  func.func @sc_kernel(%arg0: i32, %arg1: i32, %arg2: memref<32768xi32, #tpu.memory_space<hbm>>, %arg3: memref<32768xf32, #tpu.memory_space<hbm>>, %arg4: memref<2048x2048xf32, #tpu.memory_space<hbm>>, %arg5: memref<16x2048xf32, #tpu.memory_space<vmem>>, %arg6: memref<16x2048xf32, #tpu.memory_space<vmem>>, %arg7: memref<1024xi32, #tpu.memory_space<vmem>>, %arg8: memref<1024xf32, #tpu.memory_space<vmem>>, %arg9: memref<!tpu.dma_semaphore, #tpu.memory_space<semaphore_mem>>, %arg10: memref<!tpu.dma_semaphore, #tpu.memory_space<semaphore_mem>>) attributes {dimension_semantics = [#tpu.dimension_semantics<core_parallel>, #tpu.dimension_semantics<subcore_parallel>], iteration_bounds = array<i64: 2, 16>, scalar_prefetch = 0 : i64, scratch_operands = 6 : i64, tpu.core_type = #tpu.core_type<sc_vector_subcore>, window_params = [{transform_indices = #map}, {transform_indices = #map}, {transform_indices = #map1}]} {
    %mul3A = arith.constant 2 : i32
    %mul3A_0 = arith.muli %arg1, %mul3A : i32
    %add3A = arith.addi %mul3A_0, %arg0 : i32
    %broadcast_in_dim3A = arith.constant 0.000000e+00 : f32
    %broadcast_in_dim3A_1 = vector.broadcast %broadcast_in_dim3A : f32 to vector<16xf32>
    %iota3A = tpu.iota {dimensions = array<i32: 0>} : vector<16xi32>
    %mul3A_2 = arith.constant 16 : i32
    %mul3A_3 = vector.broadcast %mul3A_2 : i32 to vector<16xi32>
    %mul3A_4 = arith.muli %iota3A, %mul3A_3 : vector<16xi32>
    %add3A_5 = arith.constant 0 : i32
    %add3A_6 = vector.broadcast %add3A_5 : i32 to vector<16xi32>
    %add3A_7 = arith.addi %mul3A_4, %add3A_6 : vector<16xi32>
    %mul3A_8 = arith.constant 16 : i32
    %mul3A_9 = vector.broadcast %mul3A_8 : i32 to vector<16xi32>
    %mul3A_10 = arith.muli %iota3A, %mul3A_9 : vector<16xi32>
    %add3A_11 = arith.constant 1 : i32
    %add3A_12 = vector.broadcast %add3A_11 : i32 to vector<16xi32>
    %add3A_13 = arith.addi %mul3A_10, %add3A_12 : vector<16xi32>
    %mul3A_14 = arith.constant 16 : i32
    %mul3A_15 = vector.broadcast %mul3A_14 : i32 to vector<16xi32>
    %mul3A_16 = arith.muli %iota3A, %mul3A_15 : vector<16xi32>
    %add3A_17 = arith.constant 2 : i32
    %add3A_18 = vector.broadcast %add3A_17 : i32 to vector<16xi32>
    %add3A_19 = arith.addi %mul3A_16, %add3A_18 : vector<16xi32>
    %mul3A_20 = arith.constant 16 : i32
    %mul3A_21 = vector.broadcast %mul3A_20 : i32 to vector<16xi32>
    %mul3A_22 = arith.muli %iota3A, %mul3A_21 : vector<16xi32>
    %add3A_23 = arith.constant 3 : i32
    %add3A_24 = vector.broadcast %add3A_23 : i32 to vector<16xi32>
    %add3A_25 = arith.addi %mul3A_22, %add3A_24 : vector<16xi32>
    %mul3A_26 = arith.constant 16 : i32
    %mul3A_27 = vector.broadcast %mul3A_26 : i32 to vector<16xi32>
    %mul3A_28 = arith.muli %iota3A, %mul3A_27 : vector<16xi32>
    %add3A_29 = arith.constant 4 : i32
    %add3A_30 = vector.broadcast %add3A_29 : i32 to vector<16xi32>
    %add3A_31 = arith.addi %mul3A_28, %add3A_30 : vector<16xi32>
    %mul3A_32 = arith.constant 16 : i32
    %mul3A_33 = vector.broadcast %mul3A_32 : i32 to vector<16xi32>
    %mul3A_34 = arith.muli %iota3A, %mul3A_33 : vector<16xi32>
    %add3A_35 = arith.constant 5 : i32
    %add3A_36 = vector.broadcast %add3A_35 : i32 to vector<16xi32>
    %add3A_37 = arith.addi %mul3A_34, %add3A_36 : vector<16xi32>
    %mul3A_38 = arith.constant 16 : i32
    %mul3A_39 = vector.broadcast %mul3A_38 : i32 to vector<16xi32>
    %mul3A_40 = arith.muli %iota3A, %mul3A_39 : vector<16xi32>
    %add3A_41 = arith.constant 6 : i32
    %add3A_42 = vector.broadcast %add3A_41 : i32 to vector<16xi32>
    %add3A_43 = arith.addi %mul3A_40, %add3A_42 : vector<16xi32>
    %mul3A_44 = arith.constant 16 : i32
    %mul3A_45 = vector.broadcast %mul3A_44 : i32 to vector<16xi32>
    %mul3A_46 = arith.muli %iota3A, %mul3A_45 : vector<16xi32>
    %add3A_47 = arith.constant 7 : i32
    %add3A_48 = vector.broadcast %add3A_47 : i32 to vector<16xi32>
    %add3A_49 = arith.addi %mul3A_46, %add3A_48 : vector<16xi32>
    %mul3A_50 = arith.constant 16 : i32
    %mul3A_51 = vector.broadcast %mul3A_50 : i32 to vector<16xi32>
    %mul3A_52 = arith.muli %iota3A, %mul3A_51 : vector<16xi32>
    %add3A_53 = arith.constant 8 : i32
    %add3A_54 = vector.broadcast %add3A_53 : i32 to vector<16xi32>
    %add3A_55 = arith.addi %mul3A_52, %add3A_54 : vector<16xi32>
    %mul3A_56 = arith.constant 16 : i32
    %mul3A_57 = vector.broadcast %mul3A_56 : i32 to vector<16xi32>
    %mul3A_58 = arith.muli %iota3A, %mul3A_57 : vector<16xi32>
    %add3A_59 = arith.constant 9 : i32
    %add3A_60 = vector.broadcast %add3A_59 : i32 to vector<16xi32>
    %add3A_61 = arith.addi %mul3A_58, %add3A_60 : vector<16xi32>
    %mul3A_62 = arith.constant 16 : i32
    %mul3A_63 = vector.broadcast %mul3A_62 : i32 to vector<16xi32>
    %mul3A_64 = arith.muli %iota3A, %mul3A_63 : vector<16xi32>
    %add3A_65 = arith.constant 10 : i32
    %add3A_66 = vector.broadcast %add3A_65 : i32 to vector<16xi32>
    %add3A_67 = arith.addi %mul3A_64, %add3A_66 : vector<16xi32>
    %mul3A_68 = arith.constant 16 : i32
    %mul3A_69 = vector.broadcast %mul3A_68 : i32 to vector<16xi32>
    %mul3A_70 = arith.muli %iota3A, %mul3A_69 : vector<16xi32>
    %add3A_71 = arith.constant 11 : i32
    %add3A_72 = vector.broadcast %add3A_71 : i32 to vector<16xi32>
    %add3A_73 = arith.addi %mul3A_70, %add3A_72 : vector<16xi32>
    %mul3A_74 = arith.constant 16 : i32
    %mul3A_75 = vector.broadcast %mul3A_74 : i32 to vector<16xi32>
    %mul3A_76 = arith.muli %iota3A, %mul3A_75 : vector<16xi32>
    %add3A_77 = arith.constant 12 : i32
    %add3A_78 = vector.broadcast %add3A_77 : i32 to vector<16xi32>
    %add3A_79 = arith.addi %mul3A_76, %add3A_78 : vector<16xi32>
    %mul3A_80 = arith.constant 16 : i32
    %mul3A_81 = vector.broadcast %mul3A_80 : i32 to vector<16xi32>
    %mul3A_82 = arith.muli %iota3A, %mul3A_81 : vector<16xi32>
    %add3A_83 = arith.constant 13 : i32
    %add3A_84 = vector.broadcast %add3A_83 : i32 to vector<16xi32>
    %add3A_85 = arith.addi %mul3A_82, %add3A_84 : vector<16xi32>
    %mul3A_86 = arith.constant 16 : i32
    %mul3A_87 = vector.broadcast %mul3A_86 : i32 to vector<16xi32>
    %mul3A_88 = arith.muli %iota3A, %mul3A_87 : vector<16xi32>
    %add3A_89 = arith.constant 14 : i32
    %add3A_90 = vector.broadcast %add3A_89 : i32 to vector<16xi32>
    %add3A_91 = arith.addi %mul3A_88, %add3A_90 : vector<16xi32>
    %mul3A_92 = arith.constant 16 : i32
    %mul3A_93 = vector.broadcast %mul3A_92 : i32 to vector<16xi32>
    %mul3A_94 = arith.muli %iota3A, %mul3A_93 : vector<16xi32>
    %add3A_95 = arith.constant 15 : i32
    %add3A_96 = vector.broadcast %add3A_95 : i32 to vector<16xi32>
    %add3A_97 = arith.addi %mul3A_94, %add3A_96 : vector<16xi32>
    %mul3A_98 = arith.constant 4 : i32
    %mul3A_99 = arith.muli %add3A, %mul3A_98 : i32
    %mul3A_100 = arith.constant 256 : i32
    %mul3A_101 = arith.muli %mul3A_99, %mul3A_100 : i32
    %dma_start3A = tpu.memref_slice %arg2[%mul3A_101] : memref<32768xi32, #tpu.memory_space<hbm>> -> memref<1024xi32, #tpu.memory_space<hbm>>
    %dma_start3A_102 = tpu.memref_slice %arg2[%mul3A_101] : memref<32768xi32, #tpu.memory_space<hbm>> -> memref<1024xi32, #tpu.memory_space<hbm>>
    tpu.enqueue_dma source(%dma_start3A_102 : memref<1024xi32, #tpu.memory_space<hbm>>) target(%arg7 : memref<1024xi32, #tpu.memory_space<vmem>>) target_semaphore(%arg9 : memref<!tpu.dma_semaphore, #tpu.memory_space<semaphore_mem>>)
    %dma_start3A_103 = tpu.memref_slice %arg3[%mul3A_101] : memref<32768xf32, #tpu.memory_space<hbm>> -> memref<1024xf32, #tpu.memory_space<hbm>>
    %dma_start3A_104 = tpu.memref_slice %arg3[%mul3A_101] : memref<32768xf32, #tpu.memory_space<hbm>> -> memref<1024xf32, #tpu.memory_space<hbm>>
    tpu.enqueue_dma source(%dma_start3A_104 : memref<1024xf32, #tpu.memory_space<hbm>>) target(%arg8 : memref<1024xf32, #tpu.memory_space<vmem>>) target_semaphore(%arg10 : memref<!tpu.dma_semaphore, #tpu.memory_space<semaphore_mem>>)
    %scan3A = arith.constant 0 : i32
    %scan3A_105 = arith.constant 16 : i32
    %scan3A_106 = arith.addi %scan3A, %scan3A_105 : i32
    %scan3A_107 = arith.constant 1 : i32
    scf.for %scan3A_812 = %scan3A to %scan3A_106 step %scan3A_107  : i32 {
      %mul3A_813 = arith.constant 1 : i32
      %mul3A_814 = arith.muli %scan3A_812, %mul3A_813 : i32
      %add3A_815 = arith.constant 0 : i32
      %add3A_816 = arith.addi %add3A_815, %mul3A_814 : i32
      %scan3A_817 = arith.constant 0 : i32
      %scan3A_818 = arith.constant 16 : i32
      %scan3A_819 = arith.addi %scan3A_817, %scan3A_818 : i32
      %scan3A_820 = arith.constant 1 : i32
      scf.for %scan3A_822 = %scan3A_817 to %scan3A_819 step %scan3A_820  : i32 {
        %mul3A_823 = arith.constant 128 : i32
        %mul3A_824 = arith.muli %scan3A_822, %mul3A_823 : i32
        %add3A_825 = arith.constant 0 : i32
        %add3A_826 = arith.addi %add3A_825, %mul3A_824 : i32
        %add3A_827 = arith.constant 0 : i32
        %add3A_828 = arith.addi %add3A_826, %add3A_827 : i32
        %swap3A = arith.index_cast %add3A_816 : i32 to index
        %swap3A_829 = arith.index_cast %add3A_828 : i32 to index
        %swap3A_830 = tpu.vector_load %arg5[%swap3A, %swap3A_829] {strides = array<i32>} : memref<16x2048xf32, #tpu.memory_space<vmem>>, vector<16xf32>,
        tpu.vector_store %arg5[%swap3A, %swap3A_829], %broadcast_in_dim3A_1 {strides = array<i32>} : memref<16x2048xf32, #tpu.memory_space<vmem>>, vector<16xf32>,
        %add3A_831 = arith.constant 16 : i32
        %add3A_832 = arith.addi %add3A_826, %add3A_831 : i32
        %swap3A_833 = arith.index_cast %add3A_816 : i32 to index
        %swap3A_834 = arith.index_cast %add3A_832 : i32 to index
        %swap3A_835 = tpu.vector_load %arg5[%swap3A_833, %swap3A_834] {strides = array<i32>} : memref<16x2048xf32, #tpu.memory_space<vmem>>, vector<16xf32>,
        tpu.vector_store %arg5[%swap3A_833, %swap3A_834], %broadcast_in_dim3A_1 {strides = array<i32>} : memref<16x2048xf32, #tpu.memory_space<vmem>>, vector<16xf32>,
        %add3A_836 = arith.constant 32 : i32
        %add3A_837 = arith.addi %add3A_826, %add3A_836 : i32
        %swap3A_838 = arith.index_cast %add3A_816 : i32 to index
        %swap3A_839 = arith.index_cast %add3A_837 : i32 to index
        %swap3A_840 = tpu.vector_load %arg5[%swap3A_838, %swap3A_839] {strides = array<i32>} : memref<16x2048xf32, #tpu.memory_space<vmem>>, vector<16xf32>,
        tpu.vector_store %arg5[%swap3A_838, %swap3A_839], %broadcast_in_dim3A_1 {strides = array<i32>} : memref<16x2048xf32, #tpu.memory_space<vmem>>, vector<16xf32>,
        %add3A_841 = arith.constant 48 : i32
        %add3A_842 = arith.addi %add3A_826, %add3A_841 : i32
        %swap3A_843 = arith.index_cast %add3A_816 : i32 to index
        %swap3A_844 = arith.index_cast %add3A_842 : i32 to index
        %swap3A_845 = tpu.vector_load %arg5[%swap3A_843, %swap3A_844] {strides = array<i32>} : memref<16x2048xf32, #tpu.memory_space<vmem>>, vector<16xf32>,
        tpu.vector_store %arg5[%swap3A_843, %swap3A_844], %broadcast_in_dim3A_1 {strides = array<i32>} : memref<16x2048xf32, #tpu.memory_space<vmem>>, vector<16xf32>,
        %add3A_846 = arith.constant 64 : i32
        %add3A_847 = arith.addi %add3A_826, %add3A_846 : i32
        %swap3A_848 = arith.index_cast %add3A_816 : i32 to index
        %swap3A_849 = arith.index_cast %add3A_847 : i32 to index
        %swap3A_850 = tpu.vector_load %arg5[%swap3A_848, %swap3A_849] {strides = array<i32>} : memref<16x2048xf32, #tpu.memory_space<vmem>>, vector<16xf32>,
        tpu.vector_store %arg5[%swap3A_848, %swap3A_849], %broadcast_in_dim3A_1 {strides = array<i32>} : memref<16x2048xf32, #tpu.memory_space<vmem>>, vector<16xf32>,
        %add3A_851 = arith.constant 80 : i32
        %add3A_852 = arith.addi %add3A_826, %add3A_851 : i32
        %swap3A_853 = arith.index_cast %add3A_816 : i32 to index
        %swap3A_854 = arith.index_cast %add3A_852 : i32 to index
        %swap3A_855 = tpu.vector_load %arg5[%swap3A_853, %swap3A_854] {strides = array<i32>} : memref<16x2048xf32, #tpu.memory_space<vmem>>, vector<16xf32>,
        tpu.vector_store %arg5[%swap3A_853, %swap3A_854], %broadcast_in_dim3A_1 {strides = array<i32>} : memref<16x2048xf32, #tpu.memory_space<vmem>>, vector<16xf32>,
        %add3A_856 = arith.constant 96 : i32
        %add3A_857 = arith.addi %add3A_826, %add3A_856 : i32
        %swap3A_858 = arith.index_cast %add3A_816 : i32 to index
        %swap3A_859 = arith.index_cast %add3A_857 : i32 to index
        %swap3A_860 = tpu.vector_load %arg5[%swap3A_858, %swap3A_859] {strides = array<i32>} : memref<16x2048xf32, #tpu.memory_space<vmem>>, vector<16xf32>,
        tpu.vector_store %arg5[%swap3A_858, %swap3A_859], %broadcast_in_dim3A_1 {strides = array<i32>} : memref<16x2048xf32, #tpu.memory_space<vmem>>, vector<16xf32>,
        %add3A_861 = arith.constant 112 : i32
        %add3A_862 = arith.addi %add3A_826, %add3A_861 : i32
        %swap3A_863 = arith.index_cast %add3A_816 : i32 to index
        %swap3A_864 = arith.index_cast %add3A_862 : i32 to index
        %swap3A_865 = tpu.vector_load %arg5[%swap3A_863, %swap3A_864] {strides = array<i32>} : memref<16x2048xf32, #tpu.memory_space<vmem>>, vector<16xf32>,
        tpu.vector_store %arg5[%swap3A_863, %swap3A_864], %broadcast_in_dim3A_1 {strides = array<i32>} : memref<16x2048xf32, #tpu.memory_space<vmem>>, vector<16xf32>,
      }
      %scan3A_821 = arith.constant 16 : i32
    }
    %scan3A_108 = arith.constant 16 : i32
    %dma_wait3A = tpu.memref_slice %arg2[%mul3A_101] : memref<32768xi32, #tpu.memory_space<hbm>> -> memref<1024xi32, #tpu.memory_space<hbm>>
    %dma_wait3A_109 = tpu.memref_slice %arg2[%mul3A_101] : memref<32768xi32, #tpu.memory_space<hbm>> -> memref<1024xi32, #tpu.memory_space<hbm>>
    tpu.wait_dma2 semaphore(%arg9 : memref<!tpu.dma_semaphore, #tpu.memory_space<semaphore_mem>>) src(%dma_wait3A_109 : memref<1024xi32, #tpu.memory_space<hbm>>) dst(%arg7 : memref<1024xi32, #tpu.memory_space<vmem>>)
    %dma_wait3A_110 = tpu.memref_slice %arg3[%mul3A_101] : memref<32768xf32, #tpu.memory_space<hbm>> -> memref<1024xf32, #tpu.memory_space<hbm>>
    %dma_wait3A_111 = tpu.memref_slice %arg3[%mul3A_101] : memref<32768xf32, #tpu.memory_space<hbm>> -> memref<1024xf32, #tpu.memory_space<hbm>>
    tpu.wait_dma2 semaphore(%arg10 : memref<!tpu.dma_semaphore, #tpu.memory_space<semaphore_mem>>) src(%dma_wait3A_111 : memref<1024xf32, #tpu.memory_space<hbm>>) dst(%arg8 : memref<1024xf32, #tpu.memory_space<vmem>>)
    %add3A_112 = arith.constant 0 : i32
    %add3A_113 = vector.broadcast %add3A_112 : i32 to vector<16xi32>
    %add3A_114 = arith.addi %add3A_7, %add3A_113 : vector<16xi32>
    %gather3A = tpu.vector_load_idx %arg7[%add3A_114] : memref<1024xi32, #tpu.memory_space<vmem>>[vector<16xi32>], vector<16xi32>,
    %add3A_115 = arith.constant 0 : i32
    %add3A_116 = vector.broadcast %add3A_115 : i32 to vector<16xi32>
    %add3A_117 = arith.addi %add3A_7, %add3A_116 : vector<16xi32>
    %gather3A_118 = tpu.vector_load_idx %arg8[%add3A_117] : memref<1024xf32, #tpu.memory_space<vmem>>[vector<16xi32>], vector<16xf32>,
    tpu.vector_store_idx %arg5[%iota3A, %gather3A], %gather3A_118 {add = true} : memref<16x2048xf32, #tpu.memory_space<vmem>>[vector<16xi32>, vector<16xi32>], vector<16xf32>,
    %add3A_119 = arith.constant 0 : i32
    %add3A_120 = vector.broadcast %add3A_119 : i32 to vector<16xi32>
    %add3A_121 = arith.addi %add3A_13, %add3A_120 : vector<16xi32>
    %gather3A_122 = tpu.vector_load_idx %arg7[%add3A_121] : memref<1024xi32, #tpu.memory_space<vmem>>[vector<16xi32>], vector<16xi32>,
    %add3A_123 = arith.constant 0 : i32
    %add3A_124 = vector.broadcast %add3A_123 : i32 to vector<16xi32>
    %add3A_125 = arith.addi %add3A_13, %add3A_124 : vector<16xi32>
    %gather3A_126 = tpu.vector_load_idx %arg8[%add3A_125] : memref<1024xf32, #tpu.memory_space<vmem>>[vector<16xi32>], vector<16xf32>,
    tpu.vector_store_idx %arg5[%iota3A, %gather3A_122], %gather3A_126 {add = true} : memref<16x2048xf32, #tpu.memory_space<vmem>>[vector<16xi32>, vector<16xi32>], vector<16xf32>,
    %add3A_127 = arith.constant 0 : i32
    %add3A_128 = vector.broadcast %add3A_127 : i32 to vector<16xi32>
    %add3A_129 = arith.addi %add3A_19, %add3A_128 : vector<16xi32>
    %gather3A_130 = tpu.vector_load_idx %arg7[%add3A_129] : memref<1024xi32, #tpu.memory_space<vmem>>[vector<16xi32>], vector<16xi32>,
    %add3A_131 = arith.constant 0 : i32
    %add3A_132 = vector.broadcast %add3A_131 : i32 to vector<16xi32>
    %add3A_133 = arith.addi %add3A_19, %add3A_132 : vector<16xi32>
    %gather3A_134 = tpu.vector_load_idx %arg8[%add3A_133] : memref<1024xf32, #tpu.memory_space<vmem>>[vector<16xi32>], vector<16xf32>,
    tpu.vector_store_idx %arg5[%iota3A, %gather3A_130], %gather3A_134 {add = true} : memref<16x2048xf32, #tpu.memory_space<vmem>>[vector<16xi32>, vector<16xi32>], vector<16xf32>,
    %add3A_135 = arith.constant 0 : i32
    %add3A_136 = vector.broadcast %add3A_135 : i32 to vector<16xi32>
    %add3A_137 = arith.addi %add3A_25, %add3A_136 : vector<16xi32>
    %gather3A_138 = tpu.vector_load_idx %arg7[%add3A_137] : memref<1024xi32, #tpu.memory_space<vmem>>[vector<16xi32>], vector<16xi32>,
    %add3A_139 = arith.constant 0 : i32
    %add3A_140 = vector.broadcast %add3A_139 : i32 to vector<16xi32>
    %add3A_141 = arith.addi %add3A_25, %add3A_140 : vector<16xi32>
    %gather3A_142 = tpu.vector_load_idx %arg8[%add3A_141] : memref<1024xf32, #tpu.memory_space<vmem>>[vector<16xi32>], vector<16xf32>,
    tpu.vector_store_idx %arg5[%iota3A, %gather3A_138], %gather3A_142 {add = true} : memref<16x2048xf32, #tpu.memory_space<vmem>>[vector<16xi32>, vector<16xi32>], vector<16xf32>,
    %add3A_143 = arith.constant 0 : i32
    %add3A_144 = vector.broadcast %add3A_143 : i32 to vector<16xi32>
    %add3A_145 = arith.addi %add3A_31, %add3A_144 : vector<16xi32>
    %gather3A_146 = tpu.vector_load_idx %arg7[%add3A_145] : memref<1024xi32, #tpu.memory_space<vmem>>[vector<16xi32>], vector<16xi32>,
    %add3A_147 = arith.constant 0 : i32
    %add3A_148 = vector.broadcast %add3A_147 : i32 to vector<16xi32>
    %add3A_149 = arith.addi %add3A_31, %add3A_148 : vector<16xi32>
    %gather3A_150 = tpu.vector_load_idx %arg8[%add3A_149] : memref<1024xf32, #tpu.memory_space<vmem>>[vector<16xi32>], vector<16xf32>,
    tpu.vector_store_idx %arg5[%iota3A, %gather3A_146], %gather3A_150 {add = true} : memref<16x2048xf32, #tpu.memory_space<vmem>>[vector<16xi32>, vector<16xi32>], vector<16xf32>,
    %add3A_151 = arith.constant 0 : i32
    %add3A_152 = vector.broadcast %add3A_151 : i32 to vector<16xi32>
    %add3A_153 = arith.addi %add3A_37, %add3A_152 : vector<16xi32>
    %gather3A_154 = tpu.vector_load_idx %arg7[%add3A_153] : memref<1024xi32, #tpu.memory_space<vmem>>[vector<16xi32>], vector<16xi32>,
    %add3A_155 = arith.constant 0 : i32
    %add3A_156 = vector.broadcast %add3A_155 : i32 to vector<16xi32>
    %add3A_157 = arith.addi %add3A_37, %add3A_156 : vector<16xi32>
    %gather3A_158 = tpu.vector_load_idx %arg8[%add3A_157] : memref<1024xf32, #tpu.memory_space<vmem>>[vector<16xi32>], vector<16xf32>,
    tpu.vector_store_idx %arg5[%iota3A, %gather3A_154], %gather3A_158 {add = true} : memref<16x2048xf32, #tpu.memory_space<vmem>>[vector<16xi32>, vector<16xi32>], vector<16xf32>,
    %add3A_159 = arith.constant 0 : i32
    %add3A_160 = vector.broadcast %add3A_159 : i32 to vector<16xi32>
    %add3A_161 = arith.addi %add3A_43, %add3A_160 : vector<16xi32>
    %gather3A_162 = tpu.vector_load_idx %arg7[%add3A_161] : memref<1024xi32, #tpu.memory_space<vmem>>[vector<16xi32>], vector<16xi32>,
    %add3A_163 = arith.constant 0 : i32
    %add3A_164 = vector.broadcast %add3A_163 : i32 to vector<16xi32>
    %add3A_165 = arith.addi %add3A_43, %add3A_164 : vector<16xi32>
    %gather3A_166 = tpu.vector_load_idx %arg8[%add3A_165] : memref<1024xf32, #tpu.memory_space<vmem>>[vector<16xi32>], vector<16xf32>,
    tpu.vector_store_idx %arg5[%iota3A, %gather3A_162], %gather3A_166 {add = true} : memref<16x2048xf32, #tpu.memory_space<vmem>>[vector<16xi32>, vector<16xi32>], vector<16xf32>,
    %add3A_167 = arith.constant 0 : i32
    %add3A_168 = vector.broadcast %add3A_167 : i32 to vector<16xi32>
    %add3A_169 = arith.addi %add3A_49, %add3A_168 : vector<16xi32>
    %gather3A_170 = tpu.vector_load_idx %arg7[%add3A_169] : memref<1024xi32, #tpu.memory_space<vmem>>[vector<16xi32>], vector<16xi32>,
    %add3A_171 = arith.constant 0 : i32
    %add3A_172 = vector.broadcast %add3A_171 : i32 to vector<16xi32>
    %add3A_173 = arith.addi %add3A_49, %add3A_172 : vector<16xi32>
    %gather3A_174 = tpu.vector_load_idx %arg8[%add3A_173] : memref<1024xf32, #tpu.memory_space<vmem>>[vector<16xi32>], vector<16xf32>,
    tpu.vector_store_idx %arg5[%iota3A, %gather3A_170], %gather3A_174 {add = true} : memref<16x2048xf32, #tpu.memory_space<vmem>>[vector<16xi32>, vector<16xi32>], vector<16xf32>,
    %add3A_175 = arith.constant 0 : i32
    %add3A_176 = vector.broadcast %add3A_175 : i32 to vector<16xi32>
    %add3A_177 = arith.addi %add3A_55, %add3A_176 : vector<16xi32>
    %gather3A_178 = tpu.vector_load_idx %arg7[%add3A_177] : memref<1024xi32, #tpu.memory_space<vmem>>[vector<16xi32>], vector<16xi32>,
    %add3A_179 = arith.constant 0 : i32
    %add3A_180 = vector.broadcast %add3A_179 : i32 to vector<16xi32>
    %add3A_181 = arith.addi %add3A_55, %add3A_180 : vector<16xi32>
    %gather3A_182 = tpu.vector_load_idx %arg8[%add3A_181] : memref<1024xf32, #tpu.memory_space<vmem>>[vector<16xi32>], vector<16xf32>,
    tpu.vector_store_idx %arg5[%iota3A, %gather3A_178], %gather3A_182 {add = true} : memref<16x2048xf32, #tpu.memory_space<vmem>>[vector<16xi32>, vector<16xi32>], vector<16xf32>,
    %add3A_183 = arith.constant 0 : i32
    %add3A_184 = vector.broadcast %add3A_183 : i32 to vector<16xi32>
    %add3A_185 = arith.addi %add3A_61, %add3A_184 : vector<16xi32>
    %gather3A_186 = tpu.vector_load_idx %arg7[%add3A_185] : memref<1024xi32, #tpu.memory_space<vmem>>[vector<16xi32>], vector<16xi32>,
    %add3A_187 = arith.constant 0 : i32
    %add3A_188 = vector.broadcast %add3A_187 : i32 to vector<16xi32>
    %add3A_189 = arith.addi %add3A_61, %add3A_188 : vector<16xi32>
    %gather3A_190 = tpu.vector_load_idx %arg8[%add3A_189] : memref<1024xf32, #tpu.memory_space<vmem>>[vector<16xi32>], vector<16xf32>,
    tpu.vector_store_idx %arg5[%iota3A, %gather3A_186], %gather3A_190 {add = true} : memref<16x2048xf32, #tpu.memory_space<vmem>>[vector<16xi32>, vector<16xi32>], vector<16xf32>,
    %add3A_191 = arith.constant 0 : i32
    %add3A_192 = vector.broadcast %add3A_191 : i32 to vector<16xi32>
    %add3A_193 = arith.addi %add3A_67, %add3A_192 : vector<16xi32>
    %gather3A_194 = tpu.vector_load_idx %arg7[%add3A_193] : memref<1024xi32, #tpu.memory_space<vmem>>[vector<16xi32>], vector<16xi32>,
    %add3A_195 = arith.constant 0 : i32
    %add3A_196 = vector.broadcast %add3A_195 : i32 to vector<16xi32>
    %add3A_197 = arith.addi %add3A_67, %add3A_196 : vector<16xi32>
    %gather3A_198 = tpu.vector_load_idx %arg8[%add3A_197] : memref<1024xf32, #tpu.memory_space<vmem>>[vector<16xi32>], vector<16xf32>,
    tpu.vector_store_idx %arg5[%iota3A, %gather3A_194], %gather3A_198 {add = true} : memref<16x2048xf32, #tpu.memory_space<vmem>>[vector<16xi32>, vector<16xi32>], vector<16xf32>,
    %add3A_199 = arith.constant 0 : i32
    %add3A_200 = vector.broadcast %add3A_199 : i32 to vector<16xi32>
    %add3A_201 = arith.addi %add3A_73, %add3A_200 : vector<16xi32>
    %gather3A_202 = tpu.vector_load_idx %arg7[%add3A_201] : memref<1024xi32, #tpu.memory_space<vmem>>[vector<16xi32>], vector<16xi32>,
    %add3A_203 = arith.constant 0 : i32
    %add3A_204 = vector.broadcast %add3A_203 : i32 to vector<16xi32>
    %add3A_205 = arith.addi %add3A_73, %add3A_204 : vector<16xi32>
    %gather3A_206 = tpu.vector_load_idx %arg8[%add3A_205] : memref<1024xf32, #tpu.memory_space<vmem>>[vector<16xi32>], vector<16xf32>,
    tpu.vector_store_idx %arg5[%iota3A, %gather3A_202], %gather3A_206 {add = true} : memref<16x2048xf32, #tpu.memory_space<vmem>>[vector<16xi32>, vector<16xi32>], vector<16xf32>,
    %add3A_207 = arith.constant 0 : i32
    %add3A_208 = vector.broadcast %add3A_207 : i32 to vector<16xi32>
    %add3A_209 = arith.addi %add3A_79, %add3A_208 : vector<16xi32>
    %gather3A_210 = tpu.vector_load_idx %arg7[%add3A_209] : memref<1024xi32, #tpu.memory_space<vmem>>[vector<16xi32>], vector<16xi32>,
    %add3A_211 = arith.constant 0 : i32
    %add3A_212 = vector.broadcast %add3A_211 : i32 to vector<16xi32>
    %add3A_213 = arith.addi %add3A_79, %add3A_212 : vector<16xi32>
    %gather3A_214 = tpu.vector_load_idx %arg8[%add3A_213] : memref<1024xf32, #tpu.memory_space<vmem>>[vector<16xi32>], vector<16xf32>,
    tpu.vector_store_idx %arg5[%iota3A, %gather3A_210], %gather3A_214 {add = true} : memref<16x2048xf32, #tpu.memory_space<vmem>>[vector<16xi32>, vector<16xi32>], vector<16xf32>,
    %add3A_215 = arith.constant 0 : i32
    %add3A_216 = vector.broadcast %add3A_215 : i32 to vector<16xi32>
    %add3A_217 = arith.addi %add3A_85, %add3A_216 : vector<16xi32>
    %gather3A_218 = tpu.vector_load_idx %arg7[%add3A_217] : memref<1024xi32, #tpu.memory_space<vmem>>[vector<16xi32>], vector<16xi32>,
    %add3A_219 = arith.constant 0 : i32
    %add3A_220 = vector.broadcast %add3A_219 : i32 to vector<16xi32>
    %add3A_221 = arith.addi %add3A_85, %add3A_220 : vector<16xi32>
    %gather3A_222 = tpu.vector_load_idx %arg8[%add3A_221] : memref<1024xf32, #tpu.memory_space<vmem>>[vector<16xi32>], vector<16xf32>,
    tpu.vector_store_idx %arg5[%iota3A, %gather3A_218], %gather3A_222 {add = true} : memref<16x2048xf32, #tpu.memory_space<vmem>>[vector<16xi32>, vector<16xi32>], vector<16xf32>,
    %add3A_223 = arith.constant 0 : i32
    %add3A_224 = vector.broadcast %add3A_223 : i32 to vector<16xi32>
    %add3A_225 = arith.addi %add3A_91, %add3A_224 : vector<16xi32>
    %gather3A_226 = tpu.vector_load_idx %arg7[%add3A_225] : memref<1024xi32, #tpu.memory_space<vmem>>[vector<16xi32>], vector<16xi32>,
    %add3A_227 = arith.constant 0 : i32
    %add3A_228 = vector.broadcast %add3A_227 : i32 to vector<16xi32>
    %add3A_229 = arith.addi %add3A_91, %add3A_228 : vector<16xi32>
    %gather3A_230 = tpu.vector_load_idx %arg8[%add3A_229] : memref<1024xf32, #tpu.memory_space<vmem>>[vector<16xi32>], vector<16xf32>,
    tpu.vector_store_idx %arg5[%iota3A, %gather3A_226], %gather3A_230 {add = true} : memref<16x2048xf32, #tpu.memory_space<vmem>>[vector<16xi32>, vector<16xi32>], vector<16xf32>,
    %add3A_231 = arith.constant 0 : i32
    %add3A_232 = vector.broadcast %add3A_231 : i32 to vector<16xi32>
    %add3A_233 = arith.addi %add3A_97, %add3A_232 : vector<16xi32>
    %gather3A_234 = tpu.vector_load_idx %arg7[%add3A_233] : memref<1024xi32, #tpu.memory_space<vmem>>[vector<16xi32>], vector<16xi32>,
    %add3A_235 = arith.constant 0 : i32
    %add3A_236 = vector.broadcast %add3A_235 : i32 to vector<16xi32>
    %add3A_237 = arith.addi %add3A_97, %add3A_236 : vector<16xi32>
    %gather3A_238 = tpu.vector_load_idx %arg8[%add3A_237] : memref<1024xf32, #tpu.memory_space<vmem>>[vector<16xi32>], vector<16xf32>,
    tpu.vector_store_idx %arg5[%iota3A, %gather3A_234], %gather3A_238 {add = true} : memref<16x2048xf32, #tpu.memory_space<vmem>>[vector<16xi32>, vector<16xi32>], vector<16xf32>,
    %mul3A_239 = arith.constant 4 : i32
    %mul3A_240 = arith.muli %add3A, %mul3A_239 : i32
    %add3A_241 = arith.constant 0 : i32
    %add3A_242 = arith.addi %mul3A_240, %add3A_241 : i32
    %mul3A_243 = arith.constant 16 : i32
    %mul3A_244 = arith.muli %add3A_242, %mul3A_243 : i32
    %dma_start3A_245 = arith.constant 0 : i32
    %dma_start3A_246 = tpu.memref_slice %arg4[%mul3A_244, %dma_start3A_245] : memref<2048x2048xf32, #tpu.memory_space<hbm>> -> memref<16x2048xf32, #tpu.memory_space<hbm>>
    %dma_start3A_247 = arith.constant 0 : i32
    %dma_start3A_248 = tpu.memref_slice %arg4[%mul3A_244, %dma_start3A_247] : memref<2048x2048xf32, #tpu.memory_space<hbm>> -> memref<16x2048xf32, #tpu.memory_space<hbm>>
    tpu.enqueue_dma source(%arg5 : memref<16x2048xf32, #tpu.memory_space<vmem>>) target(%dma_start3A_248 : memref<16x2048xf32, #tpu.memory_space<hbm>>) target_semaphore(%arg9 : memref<!tpu.dma_semaphore, #tpu.memory_space<semaphore_mem>>)
    %scan3A_249 = arith.constant 0 : i32
    %scan3A_250 = arith.constant 16 : i32
    %scan3A_251 = arith.addi %scan3A_249, %scan3A_250 : i32
    %scan3A_252 = arith.constant 1 : i32
    scf.for %scan3A_812 = %scan3A_249 to %scan3A_251 step %scan3A_252  : i32 {
      %mul3A_813 = arith.constant 1 : i32
      %mul3A_814 = arith.muli %scan3A_812, %mul3A_813 : i32
      %add3A_815 = arith.constant 0 : i32
      %add3A_816 = arith.addi %add3A_815, %mul3A_814 : i32
      %scan3A_817 = arith.constant 0 : i32
      %scan3A_818 = arith.constant 16 : i32
      %scan3A_819 = arith.addi %scan3A_817, %scan3A_818 : i32
      %scan3A_820 = arith.constant 1 : i32
      scf.for %scan3A_822 = %scan3A_817 to %scan3A_819 step %scan3A_820  : i32 {
        %mul3A_823 = arith.constant 128 : i32
        %mul3A_824 = arith.muli %scan3A_822, %mul3A_823 : i32
        %add3A_825 = arith.constant 0 : i32
        %add3A_826 = arith.addi %add3A_825, %mul3A_824 : i32
        %add3A_827 = arith.constant 0 : i32
        %add3A_828 = arith.addi %add3A_826, %add3A_827 : i32
        %swap3A = arith.index_cast %add3A_816 : i32 to index
        %swap3A_829 = arith.index_cast %add3A_828 : i32 to index
        %swap3A_830 = tpu.vector_load %arg6[%swap3A, %swap3A_829] {strides = array<i32>} : memref<16x2048xf32, #tpu.memory_space<vmem>>, vector<16xf32>,
        tpu.vector_store %arg6[%swap3A, %swap3A_829], %broadcast_in_dim3A_1 {strides = array<i32>} : memref<16x2048xf32, #tpu.memory_space<vmem>>, vector<16xf32>,
        %add3A_831 = arith.constant 16 : i32
        %add3A_832 = arith.addi %add3A_826, %add3A_831 : i32
        %swap3A_833 = arith.index_cast %add3A_816 : i32 to index
        %swap3A_834 = arith.index_cast %add3A_832 : i32 to index
        %swap3A_835 = tpu.vector_load %arg6[%swap3A_833, %swap3A_834] {strides = array<i32>} : memref<16x2048xf32, #tpu.memory_space<vmem>>, vector<16xf32>,
        tpu.vector_store %arg6[%swap3A_833, %swap3A_834], %broadcast_in_dim3A_1 {strides = array<i32>} : memref<16x2048xf32, #tpu.memory_space<vmem>>, vector<16xf32>,
        %add3A_836 = arith.constant 32 : i32
        %add3A_837 = arith.addi %add3A_826, %add3A_836 : i32
        %swap3A_838 = arith.index_cast %add3A_816 : i32 to index
        %swap3A_839 = arith.index_cast %add3A_837 : i32 to index
        %swap3A_840 = tpu.vector_load %arg6[%swap3A_838, %swap3A_839] {strides = array<i32>} : memref<16x2048xf32, #tpu.memory_space<vmem>>, vector<16xf32>,
        tpu.vector_store %arg6[%swap3A_838, %swap3A_839], %broadcast_in_dim3A_1 {strides = array<i32>} : memref<16x2048xf32, #tpu.memory_space<vmem>>, vector<16xf32>,
        %add3A_841 = arith.constant 48 : i32
        %add3A_842 = arith.addi %add3A_826, %add3A_841 : i32
        %swap3A_843 = arith.index_cast %add3A_816 : i32 to index
        %swap3A_844 = arith.index_cast %add3A_842 : i32 to index
        %swap3A_845 = tpu.vector_load %arg6[%swap3A_843, %swap3A_844] {strides = array<i32>} : memref<16x2048xf32, #tpu.memory_space<vmem>>, vector<16xf32>,
        tpu.vector_store %arg6[%swap3A_843, %swap3A_844], %broadcast_in_dim3A_1 {strides = array<i32>} : memref<16x2048xf32, #tpu.memory_space<vmem>>, vector<16xf32>,
        %add3A_846 = arith.constant 64 : i32
        %add3A_847 = arith.addi %add3A_826, %add3A_846 : i32
        %swap3A_848 = arith.index_cast %add3A_816 : i32 to index
        %swap3A_849 = arith.index_cast %add3A_847 : i32 to index
        %swap3A_850 = tpu.vector_load %arg6[%swap3A_848, %swap3A_849] {strides = array<i32>} : memref<16x2048xf32, #tpu.memory_space<vmem>>, vector<16xf32>,
        tpu.vector_store %arg6[%swap3A_848, %swap3A_849], %broadcast_in_dim3A_1 {strides = array<i32>} : memref<16x2048xf32, #tpu.memory_space<vmem>>, vector<16xf32>,
        %add3A_851 = arith.constant 80 : i32
        %add3A_852 = arith.addi %add3A_826, %add3A_851 : i32
        %swap3A_853 = arith.index_cast %add3A_816 : i32 to index
        %swap3A_854 = arith.index_cast %add3A_852 : i32 to index
        %swap3A_855 = tpu.vector_load %arg6[%swap3A_853, %swap3A_854] {strides = array<i32>} : memref<16x2048xf32, #tpu.memory_space<vmem>>, vector<16xf32>,
        tpu.vector_store %arg6[%swap3A_853, %swap3A_854], %broadcast_in_dim3A_1 {strides = array<i32>} : memref<16x2048xf32, #tpu.memory_space<vmem>>, vector<16xf32>,
        %add3A_856 = arith.constant 96 : i32
        %add3A_857 = arith.addi %add3A_826, %add3A_856 : i32
        %swap3A_858 = arith.index_cast %add3A_816 : i32 to index
        %swap3A_859 = arith.index_cast %add3A_857 : i32 to index
        %swap3A_860 = tpu.vector_load %arg6[%swap3A_858, %swap3A_859] {strides = array<i32>} : memref<16x2048xf32, #tpu.memory_space<vmem>>, vector<16xf32>,
        tpu.vector_store %arg6[%swap3A_858, %swap3A_859], %broadcast_in_dim3A_1 {strides = array<i32>} : memref<16x2048xf32, #tpu.memory_space<vmem>>, vector<16xf32>,
        %add3A_861 = arith.constant 112 : i32
        %add3A_862 = arith.addi %add3A_826, %add3A_861 : i32
        %swap3A_863 = arith.index_cast %add3A_816 : i32 to index
        %swap3A_864 = arith.index_cast %add3A_862 : i32 to index
        %swap3A_865 = tpu.vector_load %arg6[%swap3A_863, %swap3A_864] {strides = array<i32>} : memref<16x2048xf32, #tpu.memory_space<vmem>>, vector<16xf32>,
        tpu.vector_store %arg6[%swap3A_863, %swap3A_864], %broadcast_in_dim3A_1 {strides = array<i32>} : memref<16x2048xf32, #tpu.memory_space<vmem>>, vector<16xf32>,
      }
      %scan3A_821 = arith.constant 16 : i32
    }
    %scan3A_253 = arith.constant 16 : i32
    %add3A_254 = arith.constant 256 : i32
    %add3A_255 = vector.broadcast %add3A_254 : i32 to vector<16xi32>
    %add3A_256 = arith.addi %add3A_7, %add3A_255 : vector<16xi32>
    %gather3A_257 = tpu.vector_load_idx %arg7[%add3A_256] : memref<1024xi32, #tpu.memory_space<vmem>>[vector<16xi32>], vector<16xi32>,
    %add3A_258 = arith.constant 256 : i32
    %add3A_259 = vector.broadcast %add3A_258 : i32 to vector<16xi32>
    %add3A_260 = arith.addi %add3A_7, %add3A_259 : vector<16xi32>
    %gather3A_261 = tpu.vector_load_idx %arg8[%add3A_260] : memref<1024xf32, #tpu.memory_space<vmem>>[vector<16xi32>], vector<16xf32>,
    tpu.vector_store_idx %arg6[%iota3A, %gather3A_257], %gather3A_261 {add = true} : memref<16x2048xf32, #tpu.memory_space<vmem>>[vector<16xi32>, vector<16xi32>], vector<16xf32>,
    %add3A_262 = arith.constant 256 : i32
    %add3A_263 = vector.broadcast %add3A_262 : i32 to vector<16xi32>
    %add3A_264 = arith.addi %add3A_13, %add3A_263 : vector<16xi32>
    %gather3A_265 = tpu.vector_load_idx %arg7[%add3A_264] : memref<1024xi32, #tpu.memory_space<vmem>>[vector<16xi32>], vector<16xi32>,
    %add3A_266 = arith.constant 256 : i32
    %add3A_267 = vector.broadcast %add3A_266 : i32 to vector<16xi32>
    %add3A_268 = arith.addi %add3A_13, %add3A_267 : vector<16xi32>
    %gather3A_269 = tpu.vector_load_idx %arg8[%add3A_268] : memref<1024xf32, #tpu.memory_space<vmem>>[vector<16xi32>], vector<16xf32>,
    tpu.vector_store_idx %arg6[%iota3A, %gather3A_265], %gather3A_269 {add = true} : memref<16x2048xf32, #tpu.memory_space<vmem>>[vector<16xi32>, vector<16xi32>], vector<16xf32>,
    %add3A_270 = arith.constant 256 : i32
    %add3A_271 = vector.broadcast %add3A_270 : i32 to vector<16xi32>
    %add3A_272 = arith.addi %add3A_19, %add3A_271 : vector<16xi32>
    %gather3A_273 = tpu.vector_load_idx %arg7[%add3A_272] : memref<1024xi32, #tpu.memory_space<vmem>>[vector<16xi32>], vector<16xi32>,
    %add3A_274 = arith.constant 256 : i32
    %add3A_275 = vector.broadcast %add3A_274 : i32 to vector<16xi32>
    %add3A_276 = arith.addi %add3A_19, %add3A_275 : vector<16xi32>
    %gather3A_277 = tpu.vector_load_idx %arg8[%add3A_276] : memref<1024xf32, #tpu.memory_space<vmem>>[vector<16xi32>], vector<16xf32>,
    tpu.vector_store_idx %arg6[%iota3A, %gather3A_273], %gather3A_277 {add = true} : memref<16x2048xf32, #tpu.memory_space<vmem>>[vector<16xi32>, vector<16xi32>], vector<16xf32>,
    %add3A_278 = arith.constant 256 : i32
    %add3A_279 = vector.broadcast %add3A_278 : i32 to vector<16xi32>
    %add3A_280 = arith.addi %add3A_25, %add3A_279 : vector<16xi32>
    %gather3A_281 = tpu.vector_load_idx %arg7[%add3A_280] : memref<1024xi32, #tpu.memory_space<vmem>>[vector<16xi32>], vector<16xi32>,
    %add3A_282 = arith.constant 256 : i32
    %add3A_283 = vector.broadcast %add3A_282 : i32 to vector<16xi32>
    %add3A_284 = arith.addi %add3A_25, %add3A_283 : vector<16xi32>
    %gather3A_285 = tpu.vector_load_idx %arg8[%add3A_284] : memref<1024xf32, #tpu.memory_space<vmem>>[vector<16xi32>], vector<16xf32>,
    tpu.vector_store_idx %arg6[%iota3A, %gather3A_281], %gather3A_285 {add = true} : memref<16x2048xf32, #tpu.memory_space<vmem>>[vector<16xi32>, vector<16xi32>], vector<16xf32>,
    %add3A_286 = arith.constant 256 : i32
    %add3A_287 = vector.broadcast %add3A_286 : i32 to vector<16xi32>
    %add3A_288 = arith.addi %add3A_31, %add3A_287 : vector<16xi32>
    %gather3A_289 = tpu.vector_load_idx %arg7[%add3A_288] : memref<1024xi32, #tpu.memory_space<vmem>>[vector<16xi32>], vector<16xi32>,
    %add3A_290 = arith.constant 256 : i32
    %add3A_291 = vector.broadcast %add3A_290 : i32 to vector<16xi32>
    %add3A_292 = arith.addi %add3A_31, %add3A_291 : vector<16xi32>
    %gather3A_293 = tpu.vector_load_idx %arg8[%add3A_292] : memref<1024xf32, #tpu.memory_space<vmem>>[vector<16xi32>], vector<16xf32>,
    tpu.vector_store_idx %arg6[%iota3A, %gather3A_289], %gather3A_293 {add = true} : memref<16x2048xf32, #tpu.memory_space<vmem>>[vector<16xi32>, vector<16xi32>], vector<16xf32>,
    %add3A_294 = arith.constant 256 : i32
    %add3A_295 = vector.broadcast %add3A_294 : i32 to vector<16xi32>
    %add3A_296 = arith.addi %add3A_37, %add3A_295 : vector<16xi32>
    %gather3A_297 = tpu.vector_load_idx %arg7[%add3A_296] : memref<1024xi32, #tpu.memory_space<vmem>>[vector<16xi32>], vector<16xi32>,
    %add3A_298 = arith.constant 256 : i32
    %add3A_299 = vector.broadcast %add3A_298 : i32 to vector<16xi32>
    %add3A_300 = arith.addi %add3A_37, %add3A_299 : vector<16xi32>
    %gather3A_301 = tpu.vector_load_idx %arg8[%add3A_300] : memref<1024xf32, #tpu.memory_space<vmem>>[vector<16xi32>], vector<16xf32>,
    tpu.vector_store_idx %arg6[%iota3A, %gather3A_297], %gather3A_301 {add = true} : memref<16x2048xf32, #tpu.memory_space<vmem>>[vector<16xi32>, vector<16xi32>], vector<16xf32>,
    %add3A_302 = arith.constant 256 : i32
    %add3A_303 = vector.broadcast %add3A_302 : i32 to vector<16xi32>
    %add3A_304 = arith.addi %add3A_43, %add3A_303 : vector<16xi32>
    %gather3A_305 = tpu.vector_load_idx %arg7[%add3A_304] : memref<1024xi32, #tpu.memory_space<vmem>>[vector<16xi32>], vector<16xi32>,
    %add3A_306 = arith.constant 256 : i32
    %add3A_307 = vector.broadcast %add3A_306 : i32 to vector<16xi32>
    %add3A_308 = arith.addi %add3A_43, %add3A_307 : vector<16xi32>
    %gather3A_309 = tpu.vector_load_idx %arg8[%add3A_308] : memref<1024xf32, #tpu.memory_space<vmem>>[vector<16xi32>], vector<16xf32>,
    tpu.vector_store_idx %arg6[%iota3A, %gather3A_305], %gather3A_309 {add = true} : memref<16x2048xf32, #tpu.memory_space<vmem>>[vector<16xi32>, vector<16xi32>], vector<16xf32>,
    %add3A_310 = arith.constant 256 : i32
    %add3A_311 = vector.broadcast %add3A_310 : i32 to vector<16xi32>
    %add3A_312 = arith.addi %add3A_49, %add3A_311 : vector<16xi32>
    %gather3A_313 = tpu.vector_load_idx %arg7[%add3A_312] : memref<1024xi32, #tpu.memory_space<vmem>>[vector<16xi32>], vector<16xi32>,
    %add3A_314 = arith.constant 256 : i32
    %add3A_315 = vector.broadcast %add3A_314 : i32 to vector<16xi32>
    %add3A_316 = arith.addi %add3A_49, %add3A_315 : vector<16xi32>
    %gather3A_317 = tpu.vector_load_idx %arg8[%add3A_316] : memref<1024xf32, #tpu.memory_space<vmem>>[vector<16xi32>], vector<16xf32>,
    tpu.vector_store_idx %arg6[%iota3A, %gather3A_313], %gather3A_317 {add = true} : memref<16x2048xf32, #tpu.memory_space<vmem>>[vector<16xi32>, vector<16xi32>], vector<16xf32>,
    %add3A_318 = arith.constant 256 : i32
    %add3A_319 = vector.broadcast %add3A_318 : i32 to vector<16xi32>
    %add3A_320 = arith.addi %add3A_55, %add3A_319 : vector<16xi32>
    %gather3A_321 = tpu.vector_load_idx %arg7[%add3A_320] : memref<1024xi32, #tpu.memory_space<vmem>>[vector<16xi32>], vector<16xi32>,
    %add3A_322 = arith.constant 256 : i32
    %add3A_323 = vector.broadcast %add3A_322 : i32 to vector<16xi32>
    %add3A_324 = arith.addi %add3A_55, %add3A_323 : vector<16xi32>
    %gather3A_325 = tpu.vector_load_idx %arg8[%add3A_324] : memref<1024xf32, #tpu.memory_space<vmem>>[vector<16xi32>], vector<16xf32>,
    tpu.vector_store_idx %arg6[%iota3A, %gather3A_321], %gather3A_325 {add = true} : memref<16x2048xf32, #tpu.memory_space<vmem>>[vector<16xi32>, vector<16xi32>], vector<16xf32>,
    %add3A_326 = arith.constant 256 : i32
    %add3A_327 = vector.broadcast %add3A_326 : i32 to vector<16xi32>
    %add3A_328 = arith.addi %add3A_61, %add3A_327 : vector<16xi32>
    %gather3A_329 = tpu.vector_load_idx %arg7[%add3A_328] : memref<1024xi32, #tpu.memory_space<vmem>>[vector<16xi32>], vector<16xi32>,
    %add3A_330 = arith.constant 256 : i32
    %add3A_331 = vector.broadcast %add3A_330 : i32 to vector<16xi32>
    %add3A_332 = arith.addi %add3A_61, %add3A_331 : vector<16xi32>
    %gather3A_333 = tpu.vector_load_idx %arg8[%add3A_332] : memref<1024xf32, #tpu.memory_space<vmem>>[vector<16xi32>], vector<16xf32>,
    tpu.vector_store_idx %arg6[%iota3A, %gather3A_329], %gather3A_333 {add = true} : memref<16x2048xf32, #tpu.memory_space<vmem>>[vector<16xi32>, vector<16xi32>], vector<16xf32>,
    %add3A_334 = arith.constant 256 : i32
    %add3A_335 = vector.broadcast %add3A_334 : i32 to vector<16xi32>
    %add3A_336 = arith.addi %add3A_67, %add3A_335 : vector<16xi32>
    %gather3A_337 = tpu.vector_load_idx %arg7[%add3A_336] : memref<1024xi32, #tpu.memory_space<vmem>>[vector<16xi32>], vector<16xi32>,
    %add3A_338 = arith.constant 256 : i32
    %add3A_339 = vector.broadcast %add3A_338 : i32 to vector<16xi32>
    %add3A_340 = arith.addi %add3A_67, %add3A_339 : vector<16xi32>
    %gather3A_341 = tpu.vector_load_idx %arg8[%add3A_340] : memref<1024xf32, #tpu.memory_space<vmem>>[vector<16xi32>], vector<16xf32>,
    tpu.vector_store_idx %arg6[%iota3A, %gather3A_337], %gather3A_341 {add = true} : memref<16x2048xf32, #tpu.memory_space<vmem>>[vector<16xi32>, vector<16xi32>], vector<16xf32>,
    %add3A_342 = arith.constant 256 : i32
    %add3A_343 = vector.broadcast %add3A_342 : i32 to vector<16xi32>
    %add3A_344 = arith.addi %add3A_73, %add3A_343 : vector<16xi32>
    %gather3A_345 = tpu.vector_load_idx %arg7[%add3A_344] : memref<1024xi32, #tpu.memory_space<vmem>>[vector<16xi32>], vector<16xi32>,
    %add3A_346 = arith.constant 256 : i32
    %add3A_347 = vector.broadcast %add3A_346 : i32 to vector<16xi32>
    %add3A_348 = arith.addi %add3A_73, %add3A_347 : vector<16xi32>
    %gather3A_349 = tpu.vector_load_idx %arg8[%add3A_348] : memref<1024xf32, #tpu.memory_space<vmem>>[vector<16xi32>], vector<16xf32>,
    tpu.vector_store_idx %arg6[%iota3A, %gather3A_345], %gather3A_349 {add = true} : memref<16x2048xf32, #tpu.memory_space<vmem>>[vector<16xi32>, vector<16xi32>], vector<16xf32>,
    %add3A_350 = arith.constant 256 : i32
    %add3A_351 = vector.broadcast %add3A_350 : i32 to vector<16xi32>
    %add3A_352 = arith.addi %add3A_79, %add3A_351 : vector<16xi32>
    %gather3A_353 = tpu.vector_load_idx %arg7[%add3A_352] : memref<1024xi32, #tpu.memory_space<vmem>>[vector<16xi32>], vector<16xi32>,
    %add3A_354 = arith.constant 256 : i32
    %add3A_355 = vector.broadcast %add3A_354 : i32 to vector<16xi32>
    %add3A_356 = arith.addi %add3A_79, %add3A_355 : vector<16xi32>
    %gather3A_357 = tpu.vector_load_idx %arg8[%add3A_356] : memref<1024xf32, #tpu.memory_space<vmem>>[vector<16xi32>], vector<16xf32>,
    tpu.vector_store_idx %arg6[%iota3A, %gather3A_353], %gather3A_357 {add = true} : memref<16x2048xf32, #tpu.memory_space<vmem>>[vector<16xi32>, vector<16xi32>], vector<16xf32>,
    %add3A_358 = arith.constant 256 : i32
    %add3A_359 = vector.broadcast %add3A_358 : i32 to vector<16xi32>
    %add3A_360 = arith.addi %add3A_85, %add3A_359 : vector<16xi32>
    %gather3A_361 = tpu.vector_load_idx %arg7[%add3A_360] : memref<1024xi32, #tpu.memory_space<vmem>>[vector<16xi32>], vector<16xi32>,
    %add3A_362 = arith.constant 256 : i32
    %add3A_363 = vector.broadcast %add3A_362 : i32 to vector<16xi32>
    %add3A_364 = arith.addi %add3A_85, %add3A_363 : vector<16xi32>
    %gather3A_365 = tpu.vector_load_idx %arg8[%add3A_364] : memref<1024xf32, #tpu.memory_space<vmem>>[vector<16xi32>], vector<16xf32>,
    tpu.vector_store_idx %arg6[%iota3A, %gather3A_361], %gather3A_365 {add = true} : memref<16x2048xf32, #tpu.memory_space<vmem>>[vector<16xi32>, vector<16xi32>], vector<16xf32>,
    %add3A_366 = arith.constant 256 : i32
    %add3A_367 = vector.broadcast %add3A_366 : i32 to vector<16xi32>
    %add3A_368 = arith.addi %add3A_91, %add3A_367 : vector<16xi32>
    %gather3A_369 = tpu.vector_load_idx %arg7[%add3A_368] : memref<1024xi32, #tpu.memory_space<vmem>>[vector<16xi32>], vector<16xi32>,
    %add3A_370 = arith.constant 256 : i32
    %add3A_371 = vector.broadcast %add3A_370 : i32 to vector<16xi32>
    %add3A_372 = arith.addi %add3A_91, %add3A_371 : vector<16xi32>
    %gather3A_373 = tpu.vector_load_idx %arg8[%add3A_372] : memref<1024xf32, #tpu.memory_space<vmem>>[vector<16xi32>], vector<16xf32>,
    tpu.vector_store_idx %arg6[%iota3A, %gather3A_369], %gather3A_373 {add = true} : memref<16x2048xf32, #tpu.memory_space<vmem>>[vector<16xi32>, vector<16xi32>], vector<16xf32>,
    %add3A_374 = arith.constant 256 : i32
    %add3A_375 = vector.broadcast %add3A_374 : i32 to vector<16xi32>
    %add3A_376 = arith.addi %add3A_97, %add3A_375 : vector<16xi32>
    %gather3A_377 = tpu.vector_load_idx %arg7[%add3A_376] : memref<1024xi32, #tpu.memory_space<vmem>>[vector<16xi32>], vector<16xi32>,
    %add3A_378 = arith.constant 256 : i32
    %add3A_379 = vector.broadcast %add3A_378 : i32 to vector<16xi32>
    %add3A_380 = arith.addi %add3A_97, %add3A_379 : vector<16xi32>
    %gather3A_381 = tpu.vector_load_idx %arg8[%add3A_380] : memref<1024xf32, #tpu.memory_space<vmem>>[vector<16xi32>], vector<16xf32>,
    tpu.vector_store_idx %arg6[%iota3A, %gather3A_377], %gather3A_381 {add = true} : memref<16x2048xf32, #tpu.memory_space<vmem>>[vector<16xi32>, vector<16xi32>], vector<16xf32>,
    %mul3A_382 = arith.constant 4 : i32
    %mul3A_383 = arith.muli %add3A, %mul3A_382 : i32
    %add3A_384 = arith.constant 1 : i32
    %add3A_385 = arith.addi %mul3A_383, %add3A_384 : i32
    %mul3A_386 = arith.constant 16 : i32
    %mul3A_387 = arith.muli %add3A_385, %mul3A_386 : i32
    %dma_start3A_388 = arith.constant 0 : i32
    %dma_start3A_389 = tpu.memref_slice %arg4[%mul3A_387, %dma_start3A_388] : memref<2048x2048xf32, #tpu.memory_space<hbm>> -> memref<16x2048xf32, #tpu.memory_space<hbm>>
    %dma_start3A_390 = arith.constant 0 : i32
    %dma_start3A_391 = tpu.memref_slice %arg4[%mul3A_387, %dma_start3A_390] : memref<2048x2048xf32, #tpu.memory_space<hbm>> -> memref<16x2048xf32, #tpu.memory_space<hbm>>
    tpu.enqueue_dma source(%arg6 : memref<16x2048xf32, #tpu.memory_space<vmem>>) target(%dma_start3A_391 : memref<16x2048xf32, #tpu.memory_space<hbm>>) target_semaphore(%arg10 : memref<!tpu.dma_semaphore, #tpu.memory_space<semaphore_mem>>)
    %dma_wait3A_392 = arith.constant 0 : i32
    %dma_wait3A_393 = tpu.memref_slice %arg4[%mul3A_244, %dma_wait3A_392] : memref<2048x2048xf32, #tpu.memory_space<hbm>> -> memref<16x2048xf32, #tpu.memory_space<hbm>>
    %dma_wait3A_394 = arith.constant 0 : i32
    %dma_wait3A_395 = tpu.memref_slice %arg4[%mul3A_244, %dma_wait3A_394] : memref<2048x2048xf32, #tpu.memory_space<hbm>> -> memref<16x2048xf32, #tpu.memory_space<hbm>>
    tpu.wait_dma2 semaphore(%arg9 : memref<!tpu.dma_semaphore, #tpu.memory_space<semaphore_mem>>) src(%arg5 : memref<16x2048xf32, #tpu.memory_space<vmem>>) dst(%dma_wait3A_395 : memref<16x2048xf32, #tpu.memory_space<hbm>>)
    %add3A_396 = arith.constant 0 : i32
    %add3A_397 = vector.broadcast %add3A_396 : i32 to vector<16xi32>
    %add3A_398 = arith.addi %add3A_7, %add3A_397 : vector<16xi32>
    %gather3A_399 = tpu.vector_load_idx %arg7[%add3A_398] : memref<1024xi32, #tpu.memory_space<vmem>>[vector<16xi32>], vector<16xi32>,
    tpu.vector_store_idx %arg5[%iota3A, %gather3A_399], %broadcast_in_dim3A_1 : memref<16x2048xf32, #tpu.memory_space<vmem>>[vector<16xi32>, vector<16xi32>], vector<16xf32>,
    %add3A_400 = arith.constant 0 : i32
    %add3A_401 = vector.broadcast %add3A_400 : i32 to vector<16xi32>
    %add3A_402 = arith.addi %add3A_13, %add3A_401 : vector<16xi32>
    %gather3A_403 = tpu.vector_load_idx %arg7[%add3A_402] : memref<1024xi32, #tpu.memory_space<vmem>>[vector<16xi32>], vector<16xi32>,
    tpu.vector_store_idx %arg5[%iota3A, %gather3A_403], %broadcast_in_dim3A_1 : memref<16x2048xf32, #tpu.memory_space<vmem>>[vector<16xi32>, vector<16xi32>], vector<16xf32>,
    %add3A_404 = arith.constant 0 : i32
    %add3A_405 = vector.broadcast %add3A_404 : i32 to vector<16xi32>
    %add3A_406 = arith.addi %add3A_19, %add3A_405 : vector<16xi32>
    %gather3A_407 = tpu.vector_load_idx %arg7[%add3A_406] : memref<1024xi32, #tpu.memory_space<vmem>>[vector<16xi32>], vector<16xi32>,
    tpu.vector_store_idx %arg5[%iota3A, %gather3A_407], %broadcast_in_dim3A_1 : memref<16x2048xf32, #tpu.memory_space<vmem>>[vector<16xi32>, vector<16xi32>], vector<16xf32>,
    %add3A_408 = arith.constant 0 : i32
    %add3A_409 = vector.broadcast %add3A_408 : i32 to vector<16xi32>
    %add3A_410 = arith.addi %add3A_25, %add3A_409 : vector<16xi32>
    %gather3A_411 = tpu.vector_load_idx %arg7[%add3A_410] : memref<1024xi32, #tpu.memory_space<vmem>>[vector<16xi32>], vector<16xi32>,
    tpu.vector_store_idx %arg5[%iota3A, %gather3A_411], %broadcast_in_dim3A_1 : memref<16x2048xf32, #tpu.memory_space<vmem>>[vector<16xi32>, vector<16xi32>], vector<16xf32>,
    %add3A_412 = arith.constant 0 : i32
    %add3A_413 = vector.broadcast %add3A_412 : i32 to vector<16xi32>
    %add3A_414 = arith.addi %add3A_31, %add3A_413 : vector<16xi32>
    %gather3A_415 = tpu.vector_load_idx %arg7[%add3A_414] : memref<1024xi32, #tpu.memory_space<vmem>>[vector<16xi32>], vector<16xi32>,
    tpu.vector_store_idx %arg5[%iota3A, %gather3A_415], %broadcast_in_dim3A_1 : memref<16x2048xf32, #tpu.memory_space<vmem>>[vector<16xi32>, vector<16xi32>], vector<16xf32>,
    %add3A_416 = arith.constant 0 : i32
    %add3A_417 = vector.broadcast %add3A_416 : i32 to vector<16xi32>
    %add3A_418 = arith.addi %add3A_37, %add3A_417 : vector<16xi32>
    %gather3A_419 = tpu.vector_load_idx %arg7[%add3A_418] : memref<1024xi32, #tpu.memory_space<vmem>>[vector<16xi32>], vector<16xi32>,
    tpu.vector_store_idx %arg5[%iota3A, %gather3A_419], %broadcast_in_dim3A_1 : memref<16x2048xf32, #tpu.memory_space<vmem>>[vector<16xi32>, vector<16xi32>], vector<16xf32>,
    %add3A_420 = arith.constant 0 : i32
    %add3A_421 = vector.broadcast %add3A_420 : i32 to vector<16xi32>
    %add3A_422 = arith.addi %add3A_43, %add3A_421 : vector<16xi32>
    %gather3A_423 = tpu.vector_load_idx %arg7[%add3A_422] : memref<1024xi32, #tpu.memory_space<vmem>>[vector<16xi32>], vector<16xi32>,
    tpu.vector_store_idx %arg5[%iota3A, %gather3A_423], %broadcast_in_dim3A_1 : memref<16x2048xf32, #tpu.memory_space<vmem>>[vector<16xi32>, vector<16xi32>], vector<16xf32>,
    %add3A_424 = arith.constant 0 : i32
    %add3A_425 = vector.broadcast %add3A_424 : i32 to vector<16xi32>
    %add3A_426 = arith.addi %add3A_49, %add3A_425 : vector<16xi32>
    %gather3A_427 = tpu.vector_load_idx %arg7[%add3A_426] : memref<1024xi32, #tpu.memory_space<vmem>>[vector<16xi32>], vector<16xi32>,
    tpu.vector_store_idx %arg5[%iota3A, %gather3A_427], %broadcast_in_dim3A_1 : memref<16x2048xf32, #tpu.memory_space<vmem>>[vector<16xi32>, vector<16xi32>], vector<16xf32>,
    %add3A_428 = arith.constant 0 : i32
    %add3A_429 = vector.broadcast %add3A_428 : i32 to vector<16xi32>
    %add3A_430 = arith.addi %add3A_55, %add3A_429 : vector<16xi32>
    %gather3A_431 = tpu.vector_load_idx %arg7[%add3A_430] : memref<1024xi32, #tpu.memory_space<vmem>>[vector<16xi32>], vector<16xi32>,
    tpu.vector_store_idx %arg5[%iota3A, %gather3A_431], %broadcast_in_dim3A_1 : memref<16x2048xf32, #tpu.memory_space<vmem>>[vector<16xi32>, vector<16xi32>], vector<16xf32>,
    %add3A_432 = arith.constant 0 : i32
    %add3A_433 = vector.broadcast %add3A_432 : i32 to vector<16xi32>
    %add3A_434 = arith.addi %add3A_61, %add3A_433 : vector<16xi32>
    %gather3A_435 = tpu.vector_load_idx %arg7[%add3A_434] : memref<1024xi32, #tpu.memory_space<vmem>>[vector<16xi32>], vector<16xi32>,
    tpu.vector_store_idx %arg5[%iota3A, %gather3A_435], %broadcast_in_dim3A_1 : memref<16x2048xf32, #tpu.memory_space<vmem>>[vector<16xi32>, vector<16xi32>], vector<16xf32>,
    %add3A_436 = arith.constant 0 : i32
    %add3A_437 = vector.broadcast %add3A_436 : i32 to vector<16xi32>
    %add3A_438 = arith.addi %add3A_67, %add3A_437 : vector<16xi32>
    %gather3A_439 = tpu.vector_load_idx %arg7[%add3A_438] : memref<1024xi32, #tpu.memory_space<vmem>>[vector<16xi32>], vector<16xi32>,
    tpu.vector_store_idx %arg5[%iota3A, %gather3A_439], %broadcast_in_dim3A_1 : memref<16x2048xf32, #tpu.memory_space<vmem>>[vector<16xi32>, vector<16xi32>], vector<16xf32>,
    %add3A_440 = arith.constant 0 : i32
    %add3A_441 = vector.broadcast %add3A_440 : i32 to vector<16xi32>
    %add3A_442 = arith.addi %add3A_73, %add3A_441 : vector<16xi32>
    %gather3A_443 = tpu.vector_load_idx %arg7[%add3A_442] : memref<1024xi32, #tpu.memory_space<vmem>>[vector<16xi32>], vector<16xi32>,
    tpu.vector_store_idx %arg5[%iota3A, %gather3A_443], %broadcast_in_dim3A_1 : memref<16x2048xf32, #tpu.memory_space<vmem>>[vector<16xi32>, vector<16xi32>], vector<16xf32>,
    %add3A_444 = arith.constant 0 : i32
    %add3A_445 = vector.broadcast %add3A_444 : i32 to vector<16xi32>
    %add3A_446 = arith.addi %add3A_79, %add3A_445 : vector<16xi32>
    %gather3A_447 = tpu.vector_load_idx %arg7[%add3A_446] : memref<1024xi32, #tpu.memory_space<vmem>>[vector<16xi32>], vector<16xi32>,
    tpu.vector_store_idx %arg5[%iota3A, %gather3A_447], %broadcast_in_dim3A_1 : memref<16x2048xf32, #tpu.memory_space<vmem>>[vector<16xi32>, vector<16xi32>], vector<16xf32>,
    %add3A_448 = arith.constant 0 : i32
    %add3A_449 = vector.broadcast %add3A_448 : i32 to vector<16xi32>
    %add3A_450 = arith.addi %add3A_85, %add3A_449 : vector<16xi32>
    %gather3A_451 = tpu.vector_load_idx %arg7[%add3A_450] : memref<1024xi32, #tpu.memory_space<vmem>>[vector<16xi32>], vector<16xi32>,
    tpu.vector_store_idx %arg5[%iota3A, %gather3A_451], %broadcast_in_dim3A_1 : memref<16x2048xf32, #tpu.memory_space<vmem>>[vector<16xi32>, vector<16xi32>], vector<16xf32>,
    %add3A_452 = arith.constant 0 : i32
    %add3A_453 = vector.broadcast %add3A_452 : i32 to vector<16xi32>
    %add3A_454 = arith.addi %add3A_91, %add3A_453 : vector<16xi32>
    %gather3A_455 = tpu.vector_load_idx %arg7[%add3A_454] : memref<1024xi32, #tpu.memory_space<vmem>>[vector<16xi32>], vector<16xi32>,
    tpu.vector_store_idx %arg5[%iota3A, %gather3A_455], %broadcast_in_dim3A_1 : memref<16x2048xf32, #tpu.memory_space<vmem>>[vector<16xi32>, vector<16xi32>], vector<16xf32>,
    %add3A_456 = arith.constant 0 : i32
    %add3A_457 = vector.broadcast %add3A_456 : i32 to vector<16xi32>
    %add3A_458 = arith.addi %add3A_97, %add3A_457 : vector<16xi32>
    %gather3A_459 = tpu.vector_load_idx %arg7[%add3A_458] : memref<1024xi32, #tpu.memory_space<vmem>>[vector<16xi32>], vector<16xi32>,
    tpu.vector_store_idx %arg5[%iota3A, %gather3A_459], %broadcast_in_dim3A_1 : memref<16x2048xf32, #tpu.memory_space<vmem>>[vector<16xi32>, vector<16xi32>], vector<16xf32>,
    %add3A_460 = arith.constant 512 : i32
    %add3A_461 = vector.broadcast %add3A_460 : i32 to vector<16xi32>
    %add3A_462 = arith.addi %add3A_7, %add3A_461 : vector<16xi32>
    %gather3A_463 = tpu.vector_load_idx %arg7[%add3A_462] : memref<1024xi32, #tpu.memory_space<vmem>>[vector<16xi32>], vector<16xi32>,
    %add3A_464 = arith.constant 512 : i32
    %add3A_465 = vector.broadcast %add3A_464 : i32 to vector<16xi32>
    %add3A_466 = arith.addi %add3A_7, %add3A_465 : vector<16xi32>
    %gather3A_467 = tpu.vector_load_idx %arg8[%add3A_466] : memref<1024xf32, #tpu.memory_space<vmem>>[vector<16xi32>], vector<16xf32>,
    tpu.vector_store_idx %arg5[%iota3A, %gather3A_463], %gather3A_467 {add = true} : memref<16x2048xf32, #tpu.memory_space<vmem>>[vector<16xi32>, vector<16xi32>], vector<16xf32>,
    %add3A_468 = arith.constant 512 : i32
    %add3A_469 = vector.broadcast %add3A_468 : i32 to vector<16xi32>
    %add3A_470 = arith.addi %add3A_13, %add3A_469 : vector<16xi32>
    %gather3A_471 = tpu.vector_load_idx %arg7[%add3A_470] : memref<1024xi32, #tpu.memory_space<vmem>>[vector<16xi32>], vector<16xi32>,
    %add3A_472 = arith.constant 512 : i32
    %add3A_473 = vector.broadcast %add3A_472 : i32 to vector<16xi32>
    %add3A_474 = arith.addi %add3A_13, %add3A_473 : vector<16xi32>
    %gather3A_475 = tpu.vector_load_idx %arg8[%add3A_474] : memref<1024xf32, #tpu.memory_space<vmem>>[vector<16xi32>], vector<16xf32>,
    tpu.vector_store_idx %arg5[%iota3A, %gather3A_471], %gather3A_475 {add = true} : memref<16x2048xf32, #tpu.memory_space<vmem>>[vector<16xi32>, vector<16xi32>], vector<16xf32>,
    %add3A_476 = arith.constant 512 : i32
    %add3A_477 = vector.broadcast %add3A_476 : i32 to vector<16xi32>
    %add3A_478 = arith.addi %add3A_19, %add3A_477 : vector<16xi32>
    %gather3A_479 = tpu.vector_load_idx %arg7[%add3A_478] : memref<1024xi32, #tpu.memory_space<vmem>>[vector<16xi32>], vector<16xi32>,
    %add3A_480 = arith.constant 512 : i32
    %add3A_481 = vector.broadcast %add3A_480 : i32 to vector<16xi32>
    %add3A_482 = arith.addi %add3A_19, %add3A_481 : vector<16xi32>
    %gather3A_483 = tpu.vector_load_idx %arg8[%add3A_482] : memref<1024xf32, #tpu.memory_space<vmem>>[vector<16xi32>], vector<16xf32>,
    tpu.vector_store_idx %arg5[%iota3A, %gather3A_479], %gather3A_483 {add = true} : memref<16x2048xf32, #tpu.memory_space<vmem>>[vector<16xi32>, vector<16xi32>], vector<16xf32>,
    %add3A_484 = arith.constant 512 : i32
    %add3A_485 = vector.broadcast %add3A_484 : i32 to vector<16xi32>
    %add3A_486 = arith.addi %add3A_25, %add3A_485 : vector<16xi32>
    %gather3A_487 = tpu.vector_load_idx %arg7[%add3A_486] : memref<1024xi32, #tpu.memory_space<vmem>>[vector<16xi32>], vector<16xi32>,
    %add3A_488 = arith.constant 512 : i32
    %add3A_489 = vector.broadcast %add3A_488 : i32 to vector<16xi32>
    %add3A_490 = arith.addi %add3A_25, %add3A_489 : vector<16xi32>
    %gather3A_491 = tpu.vector_load_idx %arg8[%add3A_490] : memref<1024xf32, #tpu.memory_space<vmem>>[vector<16xi32>], vector<16xf32>,
    tpu.vector_store_idx %arg5[%iota3A, %gather3A_487], %gather3A_491 {add = true} : memref<16x2048xf32, #tpu.memory_space<vmem>>[vector<16xi32>, vector<16xi32>], vector<16xf32>,
    %add3A_492 = arith.constant 512 : i32
    %add3A_493 = vector.broadcast %add3A_492 : i32 to vector<16xi32>
    %add3A_494 = arith.addi %add3A_31, %add3A_493 : vector<16xi32>
    %gather3A_495 = tpu.vector_load_idx %arg7[%add3A_494] : memref<1024xi32, #tpu.memory_space<vmem>>[vector<16xi32>], vector<16xi32>,
    %add3A_496 = arith.constant 512 : i32
    %add3A_497 = vector.broadcast %add3A_496 : i32 to vector<16xi32>
    %add3A_498 = arith.addi %add3A_31, %add3A_497 : vector<16xi32>
    %gather3A_499 = tpu.vector_load_idx %arg8[%add3A_498] : memref<1024xf32, #tpu.memory_space<vmem>>[vector<16xi32>], vector<16xf32>,
    tpu.vector_store_idx %arg5[%iota3A, %gather3A_495], %gather3A_499 {add = true} : memref<16x2048xf32, #tpu.memory_space<vmem>>[vector<16xi32>, vector<16xi32>], vector<16xf32>,
    %add3A_500 = arith.constant 512 : i32
    %add3A_501 = vector.broadcast %add3A_500 : i32 to vector<16xi32>
    %add3A_502 = arith.addi %add3A_37, %add3A_501 : vector<16xi32>
    %gather3A_503 = tpu.vector_load_idx %arg7[%add3A_502] : memref<1024xi32, #tpu.memory_space<vmem>>[vector<16xi32>], vector<16xi32>,
    %add3A_504 = arith.constant 512 : i32
    %add3A_505 = vector.broadcast %add3A_504 : i32 to vector<16xi32>
    %add3A_506 = arith.addi %add3A_37, %add3A_505 : vector<16xi32>
    %gather3A_507 = tpu.vector_load_idx %arg8[%add3A_506] : memref<1024xf32, #tpu.memory_space<vmem>>[vector<16xi32>], vector<16xf32>,
    tpu.vector_store_idx %arg5[%iota3A, %gather3A_503], %gather3A_507 {add = true} : memref<16x2048xf32, #tpu.memory_space<vmem>>[vector<16xi32>, vector<16xi32>], vector<16xf32>,
    %add3A_508 = arith.constant 512 : i32
    %add3A_509 = vector.broadcast %add3A_508 : i32 to vector<16xi32>
    %add3A_510 = arith.addi %add3A_43, %add3A_509 : vector<16xi32>
    %gather3A_511 = tpu.vector_load_idx %arg7[%add3A_510] : memref<1024xi32, #tpu.memory_space<vmem>>[vector<16xi32>], vector<16xi32>,
    %add3A_512 = arith.constant 512 : i32
    %add3A_513 = vector.broadcast %add3A_512 : i32 to vector<16xi32>
    %add3A_514 = arith.addi %add3A_43, %add3A_513 : vector<16xi32>
    %gather3A_515 = tpu.vector_load_idx %arg8[%add3A_514] : memref<1024xf32, #tpu.memory_space<vmem>>[vector<16xi32>], vector<16xf32>,
    tpu.vector_store_idx %arg5[%iota3A, %gather3A_511], %gather3A_515 {add = true} : memref<16x2048xf32, #tpu.memory_space<vmem>>[vector<16xi32>, vector<16xi32>], vector<16xf32>,
    %add3A_516 = arith.constant 512 : i32
    %add3A_517 = vector.broadcast %add3A_516 : i32 to vector<16xi32>
    %add3A_518 = arith.addi %add3A_49, %add3A_517 : vector<16xi32>
    %gather3A_519 = tpu.vector_load_idx %arg7[%add3A_518] : memref<1024xi32, #tpu.memory_space<vmem>>[vector<16xi32>], vector<16xi32>,
    %add3A_520 = arith.constant 512 : i32
    %add3A_521 = vector.broadcast %add3A_520 : i32 to vector<16xi32>
    %add3A_522 = arith.addi %add3A_49, %add3A_521 : vector<16xi32>
    %gather3A_523 = tpu.vector_load_idx %arg8[%add3A_522] : memref<1024xf32, #tpu.memory_space<vmem>>[vector<16xi32>], vector<16xf32>,
    tpu.vector_store_idx %arg5[%iota3A, %gather3A_519], %gather3A_523 {add = true} : memref<16x2048xf32, #tpu.memory_space<vmem>>[vector<16xi32>, vector<16xi32>], vector<16xf32>,
    %add3A_524 = arith.constant 512 : i32
    %add3A_525 = vector.broadcast %add3A_524 : i32 to vector<16xi32>
    %add3A_526 = arith.addi %add3A_55, %add3A_525 : vector<16xi32>
    %gather3A_527 = tpu.vector_load_idx %arg7[%add3A_526] : memref<1024xi32, #tpu.memory_space<vmem>>[vector<16xi32>], vector<16xi32>,
    %add3A_528 = arith.constant 512 : i32
    %add3A_529 = vector.broadcast %add3A_528 : i32 to vector<16xi32>
    %add3A_530 = arith.addi %add3A_55, %add3A_529 : vector<16xi32>
    %gather3A_531 = tpu.vector_load_idx %arg8[%add3A_530] : memref<1024xf32, #tpu.memory_space<vmem>>[vector<16xi32>], vector<16xf32>,
    tpu.vector_store_idx %arg5[%iota3A, %gather3A_527], %gather3A_531 {add = true} : memref<16x2048xf32, #tpu.memory_space<vmem>>[vector<16xi32>, vector<16xi32>], vector<16xf32>,
    %add3A_532 = arith.constant 512 : i32
    %add3A_533 = vector.broadcast %add3A_532 : i32 to vector<16xi32>
    %add3A_534 = arith.addi %add3A_61, %add3A_533 : vector<16xi32>
    %gather3A_535 = tpu.vector_load_idx %arg7[%add3A_534] : memref<1024xi32, #tpu.memory_space<vmem>>[vector<16xi32>], vector<16xi32>,
    %add3A_536 = arith.constant 512 : i32
    %add3A_537 = vector.broadcast %add3A_536 : i32 to vector<16xi32>
    %add3A_538 = arith.addi %add3A_61, %add3A_537 : vector<16xi32>
    %gather3A_539 = tpu.vector_load_idx %arg8[%add3A_538] : memref<1024xf32, #tpu.memory_space<vmem>>[vector<16xi32>], vector<16xf32>,
    tpu.vector_store_idx %arg5[%iota3A, %gather3A_535], %gather3A_539 {add = true} : memref<16x2048xf32, #tpu.memory_space<vmem>>[vector<16xi32>, vector<16xi32>], vector<16xf32>,
    %add3A_540 = arith.constant 512 : i32
    %add3A_541 = vector.broadcast %add3A_540 : i32 to vector<16xi32>
    %add3A_542 = arith.addi %add3A_67, %add3A_541 : vector<16xi32>
    %gather3A_543 = tpu.vector_load_idx %arg7[%add3A_542] : memref<1024xi32, #tpu.memory_space<vmem>>[vector<16xi32>], vector<16xi32>,
    %add3A_544 = arith.constant 512 : i32
    %add3A_545 = vector.broadcast %add3A_544 : i32 to vector<16xi32>
    %add3A_546 = arith.addi %add3A_67, %add3A_545 : vector<16xi32>
    %gather3A_547 = tpu.vector_load_idx %arg8[%add3A_546] : memref<1024xf32, #tpu.memory_space<vmem>>[vector<16xi32>], vector<16xf32>,
    tpu.vector_store_idx %arg5[%iota3A, %gather3A_543], %gather3A_547 {add = true} : memref<16x2048xf32, #tpu.memory_space<vmem>>[vector<16xi32>, vector<16xi32>], vector<16xf32>,
    %add3A_548 = arith.constant 512 : i32
    %add3A_549 = vector.broadcast %add3A_548 : i32 to vector<16xi32>
    %add3A_550 = arith.addi %add3A_73, %add3A_549 : vector<16xi32>
    %gather3A_551 = tpu.vector_load_idx %arg7[%add3A_550] : memref<1024xi32, #tpu.memory_space<vmem>>[vector<16xi32>], vector<16xi32>,
    %add3A_552 = arith.constant 512 : i32
    %add3A_553 = vector.broadcast %add3A_552 : i32 to vector<16xi32>
    %add3A_554 = arith.addi %add3A_73, %add3A_553 : vector<16xi32>
    %gather3A_555 = tpu.vector_load_idx %arg8[%add3A_554] : memref<1024xf32, #tpu.memory_space<vmem>>[vector<16xi32>], vector<16xf32>,
    tpu.vector_store_idx %arg5[%iota3A, %gather3A_551], %gather3A_555 {add = true} : memref<16x2048xf32, #tpu.memory_space<vmem>>[vector<16xi32>, vector<16xi32>], vector<16xf32>,
    %add3A_556 = arith.constant 512 : i32
    %add3A_557 = vector.broadcast %add3A_556 : i32 to vector<16xi32>
    %add3A_558 = arith.addi %add3A_79, %add3A_557 : vector<16xi32>
    %gather3A_559 = tpu.vector_load_idx %arg7[%add3A_558] : memref<1024xi32, #tpu.memory_space<vmem>>[vector<16xi32>], vector<16xi32>,
    %add3A_560 = arith.constant 512 : i32
    %add3A_561 = vector.broadcast %add3A_560 : i32 to vector<16xi32>
    %add3A_562 = arith.addi %add3A_79, %add3A_561 : vector<16xi32>
    %gather3A_563 = tpu.vector_load_idx %arg8[%add3A_562] : memref<1024xf32, #tpu.memory_space<vmem>>[vector<16xi32>], vector<16xf32>,
    tpu.vector_store_idx %arg5[%iota3A, %gather3A_559], %gather3A_563 {add = true} : memref<16x2048xf32, #tpu.memory_space<vmem>>[vector<16xi32>, vector<16xi32>], vector<16xf32>,
    %add3A_564 = arith.constant 512 : i32
    %add3A_565 = vector.broadcast %add3A_564 : i32 to vector<16xi32>
    %add3A_566 = arith.addi %add3A_85, %add3A_565 : vector<16xi32>
    %gather3A_567 = tpu.vector_load_idx %arg7[%add3A_566] : memref<1024xi32, #tpu.memory_space<vmem>>[vector<16xi32>], vector<16xi32>,
    %add3A_568 = arith.constant 512 : i32
    %add3A_569 = vector.broadcast %add3A_568 : i32 to vector<16xi32>
    %add3A_570 = arith.addi %add3A_85, %add3A_569 : vector<16xi32>
    %gather3A_571 = tpu.vector_load_idx %arg8[%add3A_570] : memref<1024xf32, #tpu.memory_space<vmem>>[vector<16xi32>], vector<16xf32>,
    tpu.vector_store_idx %arg5[%iota3A, %gather3A_567], %gather3A_571 {add = true} : memref<16x2048xf32, #tpu.memory_space<vmem>>[vector<16xi32>, vector<16xi32>], vector<16xf32>,
    %add3A_572 = arith.constant 512 : i32
    %add3A_573 = vector.broadcast %add3A_572 : i32 to vector<16xi32>
    %add3A_574 = arith.addi %add3A_91, %add3A_573 : vector<16xi32>
    %gather3A_575 = tpu.vector_load_idx %arg7[%add3A_574] : memref<1024xi32, #tpu.memory_space<vmem>>[vector<16xi32>], vector<16xi32>,
    %add3A_576 = arith.constant 512 : i32
    %add3A_577 = vector.broadcast %add3A_576 : i32 to vector<16xi32>
    %add3A_578 = arith.addi %add3A_91, %add3A_577 : vector<16xi32>
    %gather3A_579 = tpu.vector_load_idx %arg8[%add3A_578] : memref<1024xf32, #tpu.memory_space<vmem>>[vector<16xi32>], vector<16xf32>,
    tpu.vector_store_idx %arg5[%iota3A, %gather3A_575], %gather3A_579 {add = true} : memref<16x2048xf32, #tpu.memory_space<vmem>>[vector<16xi32>, vector<16xi32>], vector<16xf32>,
    %add3A_580 = arith.constant 512 : i32
    %add3A_581 = vector.broadcast %add3A_580 : i32 to vector<16xi32>
    %add3A_582 = arith.addi %add3A_97, %add3A_581 : vector<16xi32>
    %gather3A_583 = tpu.vector_load_idx %arg7[%add3A_582] : memref<1024xi32, #tpu.memory_space<vmem>>[vector<16xi32>], vector<16xi32>,
    %add3A_584 = arith.constant 512 : i32
    %add3A_585 = vector.broadcast %add3A_584 : i32 to vector<16xi32>
    %add3A_586 = arith.addi %add3A_97, %add3A_585 : vector<16xi32>
    %gather3A_587 = tpu.vector_load_idx %arg8[%add3A_586] : memref<1024xf32, #tpu.memory_space<vmem>>[vector<16xi32>], vector<16xf32>,
    tpu.vector_store_idx %arg5[%iota3A, %gather3A_583], %gather3A_587 {add = true} : memref<16x2048xf32, #tpu.memory_space<vmem>>[vector<16xi32>, vector<16xi32>], vector<16xf32>,
    %mul3A_588 = arith.constant 4 : i32
    %mul3A_589 = arith.muli %add3A, %mul3A_588 : i32
    %add3A_590 = arith.constant 2 : i32
    %add3A_591 = arith.addi %mul3A_589, %add3A_590 : i32
    %mul3A_592 = arith.constant 16 : i32
    %mul3A_593 = arith.muli %add3A_591, %mul3A_592 : i32
    %dma_start3A_594 = arith.constant 0 : i32
    %dma_start3A_595 = tpu.memref_slice %arg4[%mul3A_593, %dma_start3A_594] : memref<2048x2048xf32, #tpu.memory_space<hbm>> -> memref<16x2048xf32, #tpu.memory_space<hbm>>
    %dma_start3A_596 = arith.constant 0 : i32
    %dma_start3A_597 = tpu.memref_slice %arg4[%mul3A_593, %dma_start3A_596] : memref<2048x2048xf32, #tpu.memory_space<hbm>> -> memref<16x2048xf32, #tpu.memory_space<hbm>>
    tpu.enqueue_dma source(%arg5 : memref<16x2048xf32, #tpu.memory_space<vmem>>) target(%dma_start3A_597 : memref<16x2048xf32, #tpu.memory_space<hbm>>) target_semaphore(%arg9 : memref<!tpu.dma_semaphore, #tpu.memory_space<semaphore_mem>>)
    %dma_wait3A_598 = arith.constant 0 : i32
    %dma_wait3A_599 = tpu.memref_slice %arg4[%mul3A_387, %dma_wait3A_598] : memref<2048x2048xf32, #tpu.memory_space<hbm>> -> memref<16x2048xf32, #tpu.memory_space<hbm>>
    %dma_wait3A_600 = arith.constant 0 : i32
    %dma_wait3A_601 = tpu.memref_slice %arg4[%mul3A_387, %dma_wait3A_600] : memref<2048x2048xf32, #tpu.memory_space<hbm>> -> memref<16x2048xf32, #tpu.memory_space<hbm>>
    tpu.wait_dma2 semaphore(%arg10 : memref<!tpu.dma_semaphore, #tpu.memory_space<semaphore_mem>>) src(%arg6 : memref<16x2048xf32, #tpu.memory_space<vmem>>) dst(%dma_wait3A_601 : memref<16x2048xf32, #tpu.memory_space<hbm>>)
    %add3A_602 = arith.constant 256 : i32
    %add3A_603 = vector.broadcast %add3A_602 : i32 to vector<16xi32>
    %add3A_604 = arith.addi %add3A_7, %add3A_603 : vector<16xi32>
    %gather3A_605 = tpu.vector_load_idx %arg7[%add3A_604] : memref<1024xi32, #tpu.memory_space<vmem>>[vector<16xi32>], vector<16xi32>,
    tpu.vector_store_idx %arg6[%iota3A, %gather3A_605], %broadcast_in_dim3A_1 : memref<16x2048xf32, #tpu.memory_space<vmem>>[vector<16xi32>, vector<16xi32>], vector<16xf32>,
    %add3A_606 = arith.constant 256 : i32
    %add3A_607 = vector.broadcast %add3A_606 : i32 to vector<16xi32>
    %add3A_608 = arith.addi %add3A_13, %add3A_607 : vector<16xi32>
    %gather3A_609 = tpu.vector_load_idx %arg7[%add3A_608] : memref<1024xi32, #tpu.memory_space<vmem>>[vector<16xi32>], vector<16xi32>,
    tpu.vector_store_idx %arg6[%iota3A, %gather3A_609], %broadcast_in_dim3A_1 : memref<16x2048xf32, #tpu.memory_space<vmem>>[vector<16xi32>, vector<16xi32>], vector<16xf32>,
    %add3A_610 = arith.constant 256 : i32
    %add3A_611 = vector.broadcast %add3A_610 : i32 to vector<16xi32>
    %add3A_612 = arith.addi %add3A_19, %add3A_611 : vector<16xi32>
    %gather3A_613 = tpu.vector_load_idx %arg7[%add3A_612] : memref<1024xi32, #tpu.memory_space<vmem>>[vector<16xi32>], vector<16xi32>,
    tpu.vector_store_idx %arg6[%iota3A, %gather3A_613], %broadcast_in_dim3A_1 : memref<16x2048xf32, #tpu.memory_space<vmem>>[vector<16xi32>, vector<16xi32>], vector<16xf32>,
    %add3A_614 = arith.constant 256 : i32
    %add3A_615 = vector.broadcast %add3A_614 : i32 to vector<16xi32>
    %add3A_616 = arith.addi %add3A_25, %add3A_615 : vector<16xi32>
    %gather3A_617 = tpu.vector_load_idx %arg7[%add3A_616] : memref<1024xi32, #tpu.memory_space<vmem>>[vector<16xi32>], vector<16xi32>,
    tpu.vector_store_idx %arg6[%iota3A, %gather3A_617], %broadcast_in_dim3A_1 : memref<16x2048xf32, #tpu.memory_space<vmem>>[vector<16xi32>, vector<16xi32>], vector<16xf32>,
    %add3A_618 = arith.constant 256 : i32
    %add3A_619 = vector.broadcast %add3A_618 : i32 to vector<16xi32>
    %add3A_620 = arith.addi %add3A_31, %add3A_619 : vector<16xi32>
    %gather3A_621 = tpu.vector_load_idx %arg7[%add3A_620] : memref<1024xi32, #tpu.memory_space<vmem>>[vector<16xi32>], vector<16xi32>,
    tpu.vector_store_idx %arg6[%iota3A, %gather3A_621], %broadcast_in_dim3A_1 : memref<16x2048xf32, #tpu.memory_space<vmem>>[vector<16xi32>, vector<16xi32>], vector<16xf32>,
    %add3A_622 = arith.constant 256 : i32
    %add3A_623 = vector.broadcast %add3A_622 : i32 to vector<16xi32>
    %add3A_624 = arith.addi %add3A_37, %add3A_623 : vector<16xi32>
    %gather3A_625 = tpu.vector_load_idx %arg7[%add3A_624] : memref<1024xi32, #tpu.memory_space<vmem>>[vector<16xi32>], vector<16xi32>,
    tpu.vector_store_idx %arg6[%iota3A, %gather3A_625], %broadcast_in_dim3A_1 : memref<16x2048xf32, #tpu.memory_space<vmem>>[vector<16xi32>, vector<16xi32>], vector<16xf32>,
    %add3A_626 = arith.constant 256 : i32
    %add3A_627 = vector.broadcast %add3A_626 : i32 to vector<16xi32>
    %add3A_628 = arith.addi %add3A_43, %add3A_627 : vector<16xi32>
    %gather3A_629 = tpu.vector_load_idx %arg7[%add3A_628] : memref<1024xi32, #tpu.memory_space<vmem>>[vector<16xi32>], vector<16xi32>,
    tpu.vector_store_idx %arg6[%iota3A, %gather3A_629], %broadcast_in_dim3A_1 : memref<16x2048xf32, #tpu.memory_space<vmem>>[vector<16xi32>, vector<16xi32>], vector<16xf32>,
    %add3A_630 = arith.constant 256 : i32
    %add3A_631 = vector.broadcast %add3A_630 : i32 to vector<16xi32>
    %add3A_632 = arith.addi %add3A_49, %add3A_631 : vector<16xi32>
    %gather3A_633 = tpu.vector_load_idx %arg7[%add3A_632] : memref<1024xi32, #tpu.memory_space<vmem>>[vector<16xi32>], vector<16xi32>,
    tpu.vector_store_idx %arg6[%iota3A, %gather3A_633], %broadcast_in_dim3A_1 : memref<16x2048xf32, #tpu.memory_space<vmem>>[vector<16xi32>, vector<16xi32>], vector<16xf32>,
    %add3A_634 = arith.constant 256 : i32
    %add3A_635 = vector.broadcast %add3A_634 : i32 to vector<16xi32>
    %add3A_636 = arith.addi %add3A_55, %add3A_635 : vector<16xi32>
    %gather3A_637 = tpu.vector_load_idx %arg7[%add3A_636] : memref<1024xi32, #tpu.memory_space<vmem>>[vector<16xi32>], vector<16xi32>,
    tpu.vector_store_idx %arg6[%iota3A, %gather3A_637], %broadcast_in_dim3A_1 : memref<16x2048xf32, #tpu.memory_space<vmem>>[vector<16xi32>, vector<16xi32>], vector<16xf32>,
    %add3A_638 = arith.constant 256 : i32
    %add3A_639 = vector.broadcast %add3A_638 : i32 to vector<16xi32>
    %add3A_640 = arith.addi %add3A_61, %add3A_639 : vector<16xi32>
    %gather3A_641 = tpu.vector_load_idx %arg7[%add3A_640] : memref<1024xi32, #tpu.memory_space<vmem>>[vector<16xi32>], vector<16xi32>,
    tpu.vector_store_idx %arg6[%iota3A, %gather3A_641], %broadcast_in_dim3A_1 : memref<16x2048xf32, #tpu.memory_space<vmem>>[vector<16xi32>, vector<16xi32>], vector<16xf32>,
    %add3A_642 = arith.constant 256 : i32
    %add3A_643 = vector.broadcast %add3A_642 : i32 to vector<16xi32>
    %add3A_644 = arith.addi %add3A_67, %add3A_643 : vector<16xi32>
    %gather3A_645 = tpu.vector_load_idx %arg7[%add3A_644] : memref<1024xi32, #tpu.memory_space<vmem>>[vector<16xi32>], vector<16xi32>,
    tpu.vector_store_idx %arg6[%iota3A, %gather3A_645], %broadcast_in_dim3A_1 : memref<16x2048xf32, #tpu.memory_space<vmem>>[vector<16xi32>, vector<16xi32>], vector<16xf32>,
    %add3A_646 = arith.constant 256 : i32
    %add3A_647 = vector.broadcast %add3A_646 : i32 to vector<16xi32>
    %add3A_648 = arith.addi %add3A_73, %add3A_647 : vector<16xi32>
    %gather3A_649 = tpu.vector_load_idx %arg7[%add3A_648] : memref<1024xi32, #tpu.memory_space<vmem>>[vector<16xi32>], vector<16xi32>,
    tpu.vector_store_idx %arg6[%iota3A, %gather3A_649], %broadcast_in_dim3A_1 : memref<16x2048xf32, #tpu.memory_space<vmem>>[vector<16xi32>, vector<16xi32>], vector<16xf32>,
    %add3A_650 = arith.constant 256 : i32
    %add3A_651 = vector.broadcast %add3A_650 : i32 to vector<16xi32>
    %add3A_652 = arith.addi %add3A_79, %add3A_651 : vector<16xi32>
    %gather3A_653 = tpu.vector_load_idx %arg7[%add3A_652] : memref<1024xi32, #tpu.memory_space<vmem>>[vector<16xi32>], vector<16xi32>,
    tpu.vector_store_idx %arg6[%iota3A, %gather3A_653], %broadcast_in_dim3A_1 : memref<16x2048xf32, #tpu.memory_space<vmem>>[vector<16xi32>, vector<16xi32>], vector<16xf32>,
    %add3A_654 = arith.constant 256 : i32
    %add3A_655 = vector.broadcast %add3A_654 : i32 to vector<16xi32>
    %add3A_656 = arith.addi %add3A_85, %add3A_655 : vector<16xi32>
    %gather3A_657 = tpu.vector_load_idx %arg7[%add3A_656] : memref<1024xi32, #tpu.memory_space<vmem>>[vector<16xi32>], vector<16xi32>,
    tpu.vector_store_idx %arg6[%iota3A, %gather3A_657], %broadcast_in_dim3A_1 : memref<16x2048xf32, #tpu.memory_space<vmem>>[vector<16xi32>, vector<16xi32>], vector<16xf32>,
    %add3A_658 = arith.constant 256 : i32
    %add3A_659 = vector.broadcast %add3A_658 : i32 to vector<16xi32>
    %add3A_660 = arith.addi %add3A_91, %add3A_659 : vector<16xi32>
    %gather3A_661 = tpu.vector_load_idx %arg7[%add3A_660] : memref<1024xi32, #tpu.memory_space<vmem>>[vector<16xi32>], vector<16xi32>,
    tpu.vector_store_idx %arg6[%iota3A, %gather3A_661], %broadcast_in_dim3A_1 : memref<16x2048xf32, #tpu.memory_space<vmem>>[vector<16xi32>, vector<16xi32>], vector<16xf32>,
    %add3A_662 = arith.constant 256 : i32
    %add3A_663 = vector.broadcast %add3A_662 : i32 to vector<16xi32>
    %add3A_664 = arith.addi %add3A_97, %add3A_663 : vector<16xi32>
    %gather3A_665 = tpu.vector_load_idx %arg7[%add3A_664] : memref<1024xi32, #tpu.memory_space<vmem>>[vector<16xi32>], vector<16xi32>,
    tpu.vector_store_idx %arg6[%iota3A, %gather3A_665], %broadcast_in_dim3A_1 : memref<16x2048xf32, #tpu.memory_space<vmem>>[vector<16xi32>, vector<16xi32>], vector<16xf32>,
    %add3A_666 = arith.constant 768 : i32
    %add3A_667 = vector.broadcast %add3A_666 : i32 to vector<16xi32>
    %add3A_668 = arith.addi %add3A_7, %add3A_667 : vector<16xi32>
    %gather3A_669 = tpu.vector_load_idx %arg7[%add3A_668] : memref<1024xi32, #tpu.memory_space<vmem>>[vector<16xi32>], vector<16xi32>,
    %add3A_670 = arith.constant 768 : i32
    %add3A_671 = vector.broadcast %add3A_670 : i32 to vector<16xi32>
    %add3A_672 = arith.addi %add3A_7, %add3A_671 : vector<16xi32>
    %gather3A_673 = tpu.vector_load_idx %arg8[%add3A_672] : memref<1024xf32, #tpu.memory_space<vmem>>[vector<16xi32>], vector<16xf32>,
    tpu.vector_store_idx %arg6[%iota3A, %gather3A_669], %gather3A_673 {add = true} : memref<16x2048xf32, #tpu.memory_space<vmem>>[vector<16xi32>, vector<16xi32>], vector<16xf32>,
    %add3A_674 = arith.constant 768 : i32
    %add3A_675 = vector.broadcast %add3A_674 : i32 to vector<16xi32>
    %add3A_676 = arith.addi %add3A_13, %add3A_675 : vector<16xi32>
    %gather3A_677 = tpu.vector_load_idx %arg7[%add3A_676] : memref<1024xi32, #tpu.memory_space<vmem>>[vector<16xi32>], vector<16xi32>,
    %add3A_678 = arith.constant 768 : i32
    %add3A_679 = vector.broadcast %add3A_678 : i32 to vector<16xi32>
    %add3A_680 = arith.addi %add3A_13, %add3A_679 : vector<16xi32>
    %gather3A_681 = tpu.vector_load_idx %arg8[%add3A_680] : memref<1024xf32, #tpu.memory_space<vmem>>[vector<16xi32>], vector<16xf32>,
    tpu.vector_store_idx %arg6[%iota3A, %gather3A_677], %gather3A_681 {add = true} : memref<16x2048xf32, #tpu.memory_space<vmem>>[vector<16xi32>, vector<16xi32>], vector<16xf32>,
    %add3A_682 = arith.constant 768 : i32
    %add3A_683 = vector.broadcast %add3A_682 : i32 to vector<16xi32>
    %add3A_684 = arith.addi %add3A_19, %add3A_683 : vector<16xi32>
    %gather3A_685 = tpu.vector_load_idx %arg7[%add3A_684] : memref<1024xi32, #tpu.memory_space<vmem>>[vector<16xi32>], vector<16xi32>,
    %add3A_686 = arith.constant 768 : i32
    %add3A_687 = vector.broadcast %add3A_686 : i32 to vector<16xi32>
    %add3A_688 = arith.addi %add3A_19, %add3A_687 : vector<16xi32>
    %gather3A_689 = tpu.vector_load_idx %arg8[%add3A_688] : memref<1024xf32, #tpu.memory_space<vmem>>[vector<16xi32>], vector<16xf32>,
    tpu.vector_store_idx %arg6[%iota3A, %gather3A_685], %gather3A_689 {add = true} : memref<16x2048xf32, #tpu.memory_space<vmem>>[vector<16xi32>, vector<16xi32>], vector<16xf32>,
    %add3A_690 = arith.constant 768 : i32
    %add3A_691 = vector.broadcast %add3A_690 : i32 to vector<16xi32>
    %add3A_692 = arith.addi %add3A_25, %add3A_691 : vector<16xi32>
    %gather3A_693 = tpu.vector_load_idx %arg7[%add3A_692] : memref<1024xi32, #tpu.memory_space<vmem>>[vector<16xi32>], vector<16xi32>,
    %add3A_694 = arith.constant 768 : i32
    %add3A_695 = vector.broadcast %add3A_694 : i32 to vector<16xi32>
    %add3A_696 = arith.addi %add3A_25, %add3A_695 : vector<16xi32>
    %gather3A_697 = tpu.vector_load_idx %arg8[%add3A_696] : memref<1024xf32, #tpu.memory_space<vmem>>[vector<16xi32>], vector<16xf32>,
    tpu.vector_store_idx %arg6[%iota3A, %gather3A_693], %gather3A_697 {add = true} : memref<16x2048xf32, #tpu.memory_space<vmem>>[vector<16xi32>, vector<16xi32>], vector<16xf32>,
    %add3A_698 = arith.constant 768 : i32
    %add3A_699 = vector.broadcast %add3A_698 : i32 to vector<16xi32>
    %add3A_700 = arith.addi %add3A_31, %add3A_699 : vector<16xi32>
    %gather3A_701 = tpu.vector_load_idx %arg7[%add3A_700] : memref<1024xi32, #tpu.memory_space<vmem>>[vector<16xi32>], vector<16xi32>,
    %add3A_702 = arith.constant 768 : i32
    %add3A_703 = vector.broadcast %add3A_702 : i32 to vector<16xi32>
    %add3A_704 = arith.addi %add3A_31, %add3A_703 : vector<16xi32>
    %gather3A_705 = tpu.vector_load_idx %arg8[%add3A_704] : memref<1024xf32, #tpu.memory_space<vmem>>[vector<16xi32>], vector<16xf32>,
    tpu.vector_store_idx %arg6[%iota3A, %gather3A_701], %gather3A_705 {add = true} : memref<16x2048xf32, #tpu.memory_space<vmem>>[vector<16xi32>, vector<16xi32>], vector<16xf32>,
    %add3A_706 = arith.constant 768 : i32
    %add3A_707 = vector.broadcast %add3A_706 : i32 to vector<16xi32>
    %add3A_708 = arith.addi %add3A_37, %add3A_707 : vector<16xi32>
    %gather3A_709 = tpu.vector_load_idx %arg7[%add3A_708] : memref<1024xi32, #tpu.memory_space<vmem>>[vector<16xi32>], vector<16xi32>,
    %add3A_710 = arith.constant 768 : i32
    %add3A_711 = vector.broadcast %add3A_710 : i32 to vector<16xi32>
    %add3A_712 = arith.addi %add3A_37, %add3A_711 : vector<16xi32>
    %gather3A_713 = tpu.vector_load_idx %arg8[%add3A_712] : memref<1024xf32, #tpu.memory_space<vmem>>[vector<16xi32>], vector<16xf32>,
    tpu.vector_store_idx %arg6[%iota3A, %gather3A_709], %gather3A_713 {add = true} : memref<16x2048xf32, #tpu.memory_space<vmem>>[vector<16xi32>, vector<16xi32>], vector<16xf32>,
    %add3A_714 = arith.constant 768 : i32
    %add3A_715 = vector.broadcast %add3A_714 : i32 to vector<16xi32>
    %add3A_716 = arith.addi %add3A_43, %add3A_715 : vector<16xi32>
    %gather3A_717 = tpu.vector_load_idx %arg7[%add3A_716] : memref<1024xi32, #tpu.memory_space<vmem>>[vector<16xi32>], vector<16xi32>,
    %add3A_718 = arith.constant 768 : i32
    %add3A_719 = vector.broadcast %add3A_718 : i32 to vector<16xi32>
    %add3A_720 = arith.addi %add3A_43, %add3A_719 : vector<16xi32>
    %gather3A_721 = tpu.vector_load_idx %arg8[%add3A_720] : memref<1024xf32, #tpu.memory_space<vmem>>[vector<16xi32>], vector<16xf32>,
    tpu.vector_store_idx %arg6[%iota3A, %gather3A_717], %gather3A_721 {add = true} : memref<16x2048xf32, #tpu.memory_space<vmem>>[vector<16xi32>, vector<16xi32>], vector<16xf32>,
    %add3A_722 = arith.constant 768 : i32
    %add3A_723 = vector.broadcast %add3A_722 : i32 to vector<16xi32>
    %add3A_724 = arith.addi %add3A_49, %add3A_723 : vector<16xi32>
    %gather3A_725 = tpu.vector_load_idx %arg7[%add3A_724] : memref<1024xi32, #tpu.memory_space<vmem>>[vector<16xi32>], vector<16xi32>,
    %add3A_726 = arith.constant 768 : i32
    %add3A_727 = vector.broadcast %add3A_726 : i32 to vector<16xi32>
    %add3A_728 = arith.addi %add3A_49, %add3A_727 : vector<16xi32>
    %gather3A_729 = tpu.vector_load_idx %arg8[%add3A_728] : memref<1024xf32, #tpu.memory_space<vmem>>[vector<16xi32>], vector<16xf32>,
    tpu.vector_store_idx %arg6[%iota3A, %gather3A_725], %gather3A_729 {add = true} : memref<16x2048xf32, #tpu.memory_space<vmem>>[vector<16xi32>, vector<16xi32>], vector<16xf32>,
    %add3A_730 = arith.constant 768 : i32
    %add3A_731 = vector.broadcast %add3A_730 : i32 to vector<16xi32>
    %add3A_732 = arith.addi %add3A_55, %add3A_731 : vector<16xi32>
    %gather3A_733 = tpu.vector_load_idx %arg7[%add3A_732] : memref<1024xi32, #tpu.memory_space<vmem>>[vector<16xi32>], vector<16xi32>,
    %add3A_734 = arith.constant 768 : i32
    %add3A_735 = vector.broadcast %add3A_734 : i32 to vector<16xi32>
    %add3A_736 = arith.addi %add3A_55, %add3A_735 : vector<16xi32>
    %gather3A_737 = tpu.vector_load_idx %arg8[%add3A_736] : memref<1024xf32, #tpu.memory_space<vmem>>[vector<16xi32>], vector<16xf32>,
    tpu.vector_store_idx %arg6[%iota3A, %gather3A_733], %gather3A_737 {add = true} : memref<16x2048xf32, #tpu.memory_space<vmem>>[vector<16xi32>, vector<16xi32>], vector<16xf32>,
    %add3A_738 = arith.constant 768 : i32
    %add3A_739 = vector.broadcast %add3A_738 : i32 to vector<16xi32>
    %add3A_740 = arith.addi %add3A_61, %add3A_739 : vector<16xi32>
    %gather3A_741 = tpu.vector_load_idx %arg7[%add3A_740] : memref<1024xi32, #tpu.memory_space<vmem>>[vector<16xi32>], vector<16xi32>,
    %add3A_742 = arith.constant 768 : i32
    %add3A_743 = vector.broadcast %add3A_742 : i32 to vector<16xi32>
    %add3A_744 = arith.addi %add3A_61, %add3A_743 : vector<16xi32>
    %gather3A_745 = tpu.vector_load_idx %arg8[%add3A_744] : memref<1024xf32, #tpu.memory_space<vmem>>[vector<16xi32>], vector<16xf32>,
    tpu.vector_store_idx %arg6[%iota3A, %gather3A_741], %gather3A_745 {add = true} : memref<16x2048xf32, #tpu.memory_space<vmem>>[vector<16xi32>, vector<16xi32>], vector<16xf32>,
    %add3A_746 = arith.constant 768 : i32
    %add3A_747 = vector.broadcast %add3A_746 : i32 to vector<16xi32>
    %add3A_748 = arith.addi %add3A_67, %add3A_747 : vector<16xi32>
    %gather3A_749 = tpu.vector_load_idx %arg7[%add3A_748] : memref<1024xi32, #tpu.memory_space<vmem>>[vector<16xi32>], vector<16xi32>,
    %add3A_750 = arith.constant 768 : i32
    %add3A_751 = vector.broadcast %add3A_750 : i32 to vector<16xi32>
    %add3A_752 = arith.addi %add3A_67, %add3A_751 : vector<16xi32>
    %gather3A_753 = tpu.vector_load_idx %arg8[%add3A_752] : memref<1024xf32, #tpu.memory_space<vmem>>[vector<16xi32>], vector<16xf32>,
    tpu.vector_store_idx %arg6[%iota3A, %gather3A_749], %gather3A_753 {add = true} : memref<16x2048xf32, #tpu.memory_space<vmem>>[vector<16xi32>, vector<16xi32>], vector<16xf32>,
    %add3A_754 = arith.constant 768 : i32
    %add3A_755 = vector.broadcast %add3A_754 : i32 to vector<16xi32>
    %add3A_756 = arith.addi %add3A_73, %add3A_755 : vector<16xi32>
    %gather3A_757 = tpu.vector_load_idx %arg7[%add3A_756] : memref<1024xi32, #tpu.memory_space<vmem>>[vector<16xi32>], vector<16xi32>,
    %add3A_758 = arith.constant 768 : i32
    %add3A_759 = vector.broadcast %add3A_758 : i32 to vector<16xi32>
    %add3A_760 = arith.addi %add3A_73, %add3A_759 : vector<16xi32>
    %gather3A_761 = tpu.vector_load_idx %arg8[%add3A_760] : memref<1024xf32, #tpu.memory_space<vmem>>[vector<16xi32>], vector<16xf32>,
    tpu.vector_store_idx %arg6[%iota3A, %gather3A_757], %gather3A_761 {add = true} : memref<16x2048xf32, #tpu.memory_space<vmem>>[vector<16xi32>, vector<16xi32>], vector<16xf32>,
    %add3A_762 = arith.constant 768 : i32
    %add3A_763 = vector.broadcast %add3A_762 : i32 to vector<16xi32>
    %add3A_764 = arith.addi %add3A_79, %add3A_763 : vector<16xi32>
    %gather3A_765 = tpu.vector_load_idx %arg7[%add3A_764] : memref<1024xi32, #tpu.memory_space<vmem>>[vector<16xi32>], vector<16xi32>,
    %add3A_766 = arith.constant 768 : i32
    %add3A_767 = vector.broadcast %add3A_766 : i32 to vector<16xi32>
    %add3A_768 = arith.addi %add3A_79, %add3A_767 : vector<16xi32>
    %gather3A_769 = tpu.vector_load_idx %arg8[%add3A_768] : memref<1024xf32, #tpu.memory_space<vmem>>[vector<16xi32>], vector<16xf32>,
    tpu.vector_store_idx %arg6[%iota3A, %gather3A_765], %gather3A_769 {add = true} : memref<16x2048xf32, #tpu.memory_space<vmem>>[vector<16xi32>, vector<16xi32>], vector<16xf32>,
    %add3A_770 = arith.constant 768 : i32
    %add3A_771 = vector.broadcast %add3A_770 : i32 to vector<16xi32>
    %add3A_772 = arith.addi %add3A_85, %add3A_771 : vector<16xi32>
    %gather3A_773 = tpu.vector_load_idx %arg7[%add3A_772] : memref<1024xi32, #tpu.memory_space<vmem>>[vector<16xi32>], vector<16xi32>,
    %add3A_774 = arith.constant 768 : i32
    %add3A_775 = vector.broadcast %add3A_774 : i32 to vector<16xi32>
    %add3A_776 = arith.addi %add3A_85, %add3A_775 : vector<16xi32>
    %gather3A_777 = tpu.vector_load_idx %arg8[%add3A_776] : memref<1024xf32, #tpu.memory_space<vmem>>[vector<16xi32>], vector<16xf32>,
    tpu.vector_store_idx %arg6[%iota3A, %gather3A_773], %gather3A_777 {add = true} : memref<16x2048xf32, #tpu.memory_space<vmem>>[vector<16xi32>, vector<16xi32>], vector<16xf32>,
    %add3A_778 = arith.constant 768 : i32
    %add3A_779 = vector.broadcast %add3A_778 : i32 to vector<16xi32>
    %add3A_780 = arith.addi %add3A_91, %add3A_779 : vector<16xi32>
    %gather3A_781 = tpu.vector_load_idx %arg7[%add3A_780] : memref<1024xi32, #tpu.memory_space<vmem>>[vector<16xi32>], vector<16xi32>,
    %add3A_782 = arith.constant 768 : i32
    %add3A_783 = vector.broadcast %add3A_782 : i32 to vector<16xi32>
    %add3A_784 = arith.addi %add3A_91, %add3A_783 : vector<16xi32>
    %gather3A_785 = tpu.vector_load_idx %arg8[%add3A_784] : memref<1024xf32, #tpu.memory_space<vmem>>[vector<16xi32>], vector<16xf32>,
    tpu.vector_store_idx %arg6[%iota3A, %gather3A_781], %gather3A_785 {add = true} : memref<16x2048xf32, #tpu.memory_space<vmem>>[vector<16xi32>, vector<16xi32>], vector<16xf32>,
    %add3A_786 = arith.constant 768 : i32
    %add3A_787 = vector.broadcast %add3A_786 : i32 to vector<16xi32>
    %add3A_788 = arith.addi %add3A_97, %add3A_787 : vector<16xi32>
    %gather3A_789 = tpu.vector_load_idx %arg7[%add3A_788] : memref<1024xi32, #tpu.memory_space<vmem>>[vector<16xi32>], vector<16xi32>,
    %add3A_790 = arith.constant 768 : i32
    %add3A_791 = vector.broadcast %add3A_790 : i32 to vector<16xi32>
    %add3A_792 = arith.addi %add3A_97, %add3A_791 : vector<16xi32>
    %gather3A_793 = tpu.vector_load_idx %arg8[%add3A_792] : memref<1024xf32, #tpu.memory_space<vmem>>[vector<16xi32>], vector<16xf32>,
    tpu.vector_store_idx %arg6[%iota3A, %gather3A_789], %gather3A_793 {add = true} : memref<16x2048xf32, #tpu.memory_space<vmem>>[vector<16xi32>, vector<16xi32>], vector<16xf32>,
    %mul3A_794 = arith.constant 4 : i32
    %mul3A_795 = arith.muli %add3A, %mul3A_794 : i32
    %add3A_796 = arith.constant 3 : i32
    %add3A_797 = arith.addi %mul3A_795, %add3A_796 : i32
    %mul3A_798 = arith.constant 16 : i32
    %mul3A_799 = arith.muli %add3A_797, %mul3A_798 : i32
    %dma_start3A_800 = arith.constant 0 : i32
    %dma_start3A_801 = tpu.memref_slice %arg4[%mul3A_799, %dma_start3A_800] : memref<2048x2048xf32, #tpu.memory_space<hbm>> -> memref<16x2048xf32, #tpu.memory_space<hbm>>
    %dma_start3A_802 = arith.constant 0 : i32
    %dma_start3A_803 = tpu.memref_slice %arg4[%mul3A_799, %dma_start3A_802] : memref<2048x2048xf32, #tpu.memory_space<hbm>> -> memref<16x2048xf32, #tpu.memory_space<hbm>>
    tpu.enqueue_dma source(%arg6 : memref<16x2048xf32, #tpu.memory_space<vmem>>) target(%dma_start3A_803 : memref<16x2048xf32, #tpu.memory_space<hbm>>) target_semaphore(%arg10 : memref<!tpu.dma_semaphore, #tpu.memory_space<semaphore_mem>>)
    %dma_wait3A_804 = arith.constant 0 : i32
    %dma_wait3A_805 = tpu.memref_slice %arg4[%mul3A_593, %dma_wait3A_804] : memref<2048x2048xf32, #tpu.memory_space<hbm>> -> memref<16x2048xf32, #tpu.memory_space<hbm>>
    %dma_wait3A_806 = arith.constant 0 : i32
    %dma_wait3A_807 = tpu.memref_slice %arg4[%mul3A_593, %dma_wait3A_806] : memref<2048x2048xf32, #tpu.memory_space<hbm>> -> memref<16x2048xf32, #tpu.memory_space<hbm>>
    tpu.wait_dma2 semaphore(%arg9 : memref<!tpu.dma_semaphore, #tpu.memory_space<semaphore_mem>>) src(%arg5 : memref<16x2048xf32, #tpu.memory_space<vmem>>) dst(%dma_wait3A_807 : memref<16x2048xf32, #tpu.memory_space<hbm>>)
    %dma_wait3A_808 = arith.constant 0 : i32
    %dma_wait3A_809 = tpu.memref_slice %arg4[%mul3A_799, %dma_wait3A_808] : memref<2048x2048xf32, #tpu.memory_space<hbm>> -> memref<16x2048xf32, #tpu.memory_space<hbm>>
    %dma_wait3A_810 = arith.constant 0 : i32
    %dma_wait3A_811 = tpu.memref_slice %arg4[%mul3A_799, %dma_wait3A_810] : memref<2048x2048xf32, #tpu.memory_space<hbm>> -> memref<16x2048xf32, #tpu.memory_space<hbm>>
    tpu.wait_dma2 semaphore(%arg10 : memref<!tpu.dma_semaphore, #tpu.memory_space<semaphore_mem>>) src(%arg6 : memref<16x2048xf32, #tpu.memory_space<vmem>>) dst(%dma_wait3A_811 : memref<16x2048xf32, #tpu.memory_space<hbm>>)
    return
  }
}

module attributes {stable_mosaic.version = 14 : i64} {
  func.func @body(%arg0: i32, %arg1: i32, %arg2: memref<1024x2048xbf16, #tpu.memory_space<vmem>>, %arg3: memref<1024x2048xf32, #tpu.memory_space<vmem>>, %arg4: memref<1x1024xf32, #tpu.memory_space<vmem>>, %arg5: memref<1024x1024xf32, #tpu.memory_space<vmem>>) attributes {dimension_semantics = [#tpu.dimension_semantics<arbitrary>, #tpu.dimension_semantics<arbitrary>], iteration_bounds = array<i64: 2, 2>, scalar_prefetch = 0 : i64, scratch_operands = 0 : i64, tpu.core_type = #tpu.core_type<tc>, window_params = [{transform_indices = @transform_0, window_bounds = array<i64: 1024, 2048>}, {transform_indices = @transform_1, window_bounds = array<i64: 1024, 2048>}, {transform_indices = @transform_2, window_bounds = array<i64: 1, 1024>}, {transform_indices = @transform_3, window_bounds = array<i64: 1024, 1024>}]} {
    %get3A = arith.constant 0 : index
    %get3A_0 = arith.constant 0 : index
    %get3A_1 = vector.load %arg2[%get3A, %get3A_0] : memref<1024x2048xbf16, #tpu.memory_space<vmem>>, vector<1024x2048xbf16>
    %get3A_2 = arith.constant 0 : index
    %get3A_3 = arith.constant 0 : index
    %get3A_4 = vector.load %arg3[%get3A_2, %get3A_3] : memref<1024x2048xf32, #tpu.memory_space<vmem>>, vector<1024x2048xf32>
    %convert_element_type3A = arith.truncf %get3A_4 : vector<1024x2048xf32> to vector<1024x2048xbf16>
    %dot_general3A = arith.constant dense<0.000000e+00> : vector<1024x1024xf32>
    %dot_general3A_5 = tpu.matmul %get3A_1, %convert_element_type3A, %dot_general3A {dimension_numbers = #tpu.dot_dimension_numbers<[1], [1], [0], [0], [0, 0, 1, 0], [], []>, transpose_lhs_hint = false} : vector<1024x2048xbf16>, vector<1024x2048xbf16>, vector<1024x1024xf32> -> vector<1024x1024xf32>
    %get3A_6 = arith.constant 0 : index
    %get3A_7 = arith.constant 0 : index
    %get3A_8 = vector.load %arg4[%get3A_6, %get3A_7] : memref<1x1024xf32, #tpu.memory_space<vmem>>, vector<1x1024xf32>
    %add3A = vector.broadcast %get3A_8 : vector<1x1024xf32> to vector<1024x1024xf32>
    %add3A_9 = arith.addf %dot_general3A_5, %add3A : vector<1024x1024xf32>
    %swap3A = arith.constant 0 : index
    %swap3A_10 = arith.constant 0 : index
    %swap3A_11 = vector.load %arg5[%swap3A, %swap3A_10] : memref<1024x1024xf32, #tpu.memory_space<vmem>>, vector<1024x1024xf32>
    tpu.vector_store %arg5[%swap3A, %swap3A_10], %add3A_9 {strides = array<i32>} : memref<1024x1024xf32, #tpu.memory_space<vmem>>, vector<1024x1024xf32>,
    return
  }
  func.func @transform_0(%arg0: i32, %arg1: i32) -> (i32, i32) {
    %c0_i32 = arith.constant 0 : i32
    %c0_i32_0 = arith.constant 0 : i32
    return %arg1, %c0_i32 : i32, i32
  }
  func.func @transform_1(%arg0: i32, %arg1: i32) -> (i32, i32) {
    %c0_i32 = arith.constant 0 : i32
    %c0_i32_0 = arith.constant 0 : i32
    return %arg0, %c0_i32 : i32, i32
  }
  func.func @transform_2(%arg0: i32, %arg1: i32) -> (i32, i32) {
    %c0_i32 = arith.constant 0 : i32
    %c0_i32_0 = arith.constant 0 : i32
    return %c0_i32, %arg0 : i32, i32
  }
  func.func @transform_3(%arg0: i32, %arg1: i32) -> (i32, i32) {
    %c0_i32 = arith.constant 0 : i32
    return %arg1, %arg0 : i32, i32
  }
}

</mosaic_0001>

<sc_bundles>
// kernel: kernel.4.cloned.1.call-start
scs
__scs_entry_jumppad:
0x0: {  	(pc) =	sbr.rel $0x88, $3  }
0x1: {  	(tag) =	ssettag $0x0;
	lr =	simm.s32 $0x1  }
0x2: {  	[smem:$0x3F9D] =	sst lr;
	_ =	strace $0xD0000000  }
0x3: {  	_ = 	snop  }
0x4: {  	_ = 	snop  }
0x5: {  	_ = 	snop  }
0x6: {  	_ = 	snop  }
0x7: {  	_ = 	snop  }
__scs_overlays_trampoline_lowered:
0x8: {  	[smem:$0x3FAC] =	sst s0  }
0x9: {  	[smem:$0x3FAD] =	sst s1  }
0xa: {  	[smem:$0x3FAE] =	sst s2  }
0xb: {  	[smem:$0x3FAF] =	sst s3  }
0xc: {  	[smem:$0x3FB0] =	sst s4  }
0xd: {  	[smem:$0x3FB1] =	sst s5  }
0xe: {  	[smem:$0x3FB2] =	sst s6  }
0xf: {  	[smem:$0x3FB3] =	sst s7  }
0x10: {  	[smem:$0x3FB4] =	sst s8  }
0x11: {  	[smem:$0x3FB5] =	sst s9;
	s0 =	simm.s32 @!p0 $0x0  }
0x12: {  	s1 =	sld [smem:$0x3F9B];
	s0 =	simm.s32 @p0 $0x1  }
0x13: {  	[smem:$0x3FB6] =	sst s0;
	s0 =	simm.s32 @!p1 $0x0  }
0x14: {  	s2 =	sld [smem:$0x3F9A];
	s0 =	simm.s32 @p1 $0x1  }
0x15: {  	[smem:$0x3FB7] =	sst s0;
	s0 =	simm.s32 @!p2 $0x0  }
0x16: {  	s3 =	sld [smem:$0x3FDB];
	s0 =	simm.s32 @p2 $0x1  }
0x17: {  	s4 =	simm.s32 $0x1BF5;
	[smem:$0x3FB9] =	sst s0  }
0x18: {  	s0 =	sld [smem:$0x3F9C];
	_ =	swait.ge [sflag:s4], $0x0  }
0x19: {  	s7 =	sld [smem:$0x3F9D]  }
0x1a: {  	s8 =	sadd.s32 $0xFFFFE003, lr  }
0x1b: {  	s9 =	sadd.s32 $0xFFFFFEF7, lr;
	s5 =	simm.s32 $0xFFFFFFFF;
	p2 =	slt.u32 s8, $0xFFFFF086  }
0x1c: {  	p1 =	slt.u32 s9, $0xF7A;
	s5 =	simm.s32 @!p2 $0x0  }
0x1d: {  	s5 =	simm.s32 @p1 $0x1;
	p0 =	seq.s32 s7, s2  }
0x1e: {  	s7 =	smul.u32 @!p0 $0xF7A, s2;
	p2 =	seq.s32 @!p0 s5, $0x0  }
0x1f: {  	s9 =	smul.u32 $0xF7A, s1;
	s8 =	simm.s32 @!p0 $0x1BF5;
	p2 =	por !p2, p0  }
0x20: {  	[sflag:s8] =	ssyncset.s32 @!p0 $0xFFFFF086;
	s6 =	sadd.s32 @!p0 s3, s7;
	s7 =	simm.s32 @!p0 $0x108  }
0x21: {  	s3 =	sadd.s32 s3, s9;
	s6 =	sadd.s32 @!p0 $0x88, s6;
	s7 =	simm.s32 @p2 $0x1082  }
0x22: {  	[simem:s7], [sflag:s8] =	dma.local @!p0 [hbm:s6], $0xF7A  }
0x23: {  	s9 =	sor.u32 $0xD0000000, s2;
	s6 =	simm.s32 $0x108;
	_ =	swait.ge @!p0 [sflag:s8], $0x0  }
0x24: {  	s3 =	sadd.s32 $0x88, s3;
	s6 =	simm.s32 @!p1 $0x1082;
	[sflag:s4] =	ssyncset.s32 $0xFFFFF086  }
0x25: {  	[simem:s6], [sflag:s4] =	dma.local [hbm:s3], $0xF7A  }
0x26: {  	[smem:$0x3F9D] =	sst s1;
	(tag) =	ssettag s2;
	_ =	strace s9  }
0x27: {  	s1 =	sld [smem:$0x3FAD]  }
0x28: {  	s2 =	sld [smem:$0x3FAE]  }
0x29: {  	s4 =	sld [smem:$0x3FB0]  }
0x2a: {  	p0 =	seq.s32 s5, $0x0;
	s5 =	sld [smem:$0x3FB1]  }
0x2b: {  	s6 =	sld [smem:$0x3FB2]  }
0x2c: {  	s7 =	sld [smem:$0x3FB3]  }
0x2d: {  	s3 =	simm.s32 $0x108;
	s8 =	sld [smem:$0x3FB4]  }
0x2e: {  	s3 =	simm.s32 @!p0 $0x1082;
	s9 =	sld [smem:$0x3FB5]  }
0x2f: {  	lr =	sadd.s32 s0, s3;
	s0 =	sld [smem:$0x3FAC]  }
0x30: {  	s3 =	sld [smem:$0x3FAF]  }
0x31: {  	[smem:$0x3FB8] =	sst s10  }
0x32: {  	s10 =	sld [smem:$0x3FB6];
	_ =	sdelay $0x3  }
0x33: {  	p0 =	seq.s32 s10, $0x1;
	s10 =	sld [smem:$0x3FB8];
	_ =	sdelay $0x3  }
0x34: {  	[smem:$0x3FB8] =	sst s10  }
0x35: {  	s10 =	sld [smem:$0x3FB7];
	_ =	sdelay $0x3  }
0x36: {  	p1 =	seq.s32 s10, $0x1;
	s10 =	sld [smem:$0x3FB8];
	_ =	sdelay $0x3  }
0x37: {  	[smem:$0x3FB8] =	sst s10  }
0x38: {  	s10 =	sld [smem:$0x3FB9]  }
0x39: {  	_ = 	snop;
	(pc) =	sbr.ind lr, $3  }
0x3a: {  	_ = 	snop  }
0x3b: {  	_ = 	snop  }
0x3c: {  	p2 =	seq.s32 s10, $0x1;
	s10 =	sld [smem:$0x3FB8]  }
0x3d: {  	_ =	shalt  }
0x3e: {  	_ =	shalt  }
0x3f: {  	_ =	shalt  }
0x40: {  	_ =	shalt  }
0x41: {  	_ =	shalt  }
0x42: {  	_ =	shalt  }
0x43: {  	_ =	shalt  }
0x44: {  	_ =	shalt  }
0x45: {  	_ =	shalt  }
0x46: {  	_ =	shalt  }
0x47: {  	_ =	shalt  }
0x48: {  	_ =	shalt  }
0x49: {  	_ =	shalt  }
0x4a: {  	_ =	shalt  }
0x4b: {  	_ =	shalt  }
0x4c: {  	_ =	shalt  }
0x4d: {  	_ =	shalt  }
0x4e: {  	_ =	shalt  }
0x4f: {  	_ =	shalt  }
0x50: {  	_ =	shalt  }
0x51: {  	_ =	shalt  }
0x52: {  	_ =	shalt  }
0x53: {  	_ =	shalt  }
0x54: {  	_ =	shalt  }
0x55: {  	_ =	shalt  }
0x56: {  	_ =	shalt  }
0x57: {  	_ =	shalt  }
0x58: {  	_ =	shalt  }
0x59: {  	_ =	shalt  }
0x5a: {  	_ =	shalt  }
0x5b: {  	_ =	shalt  }
0x5c: {  	_ =	shalt  }
0x5d: {  	_ =	shalt  }
0x5e: {  	_ =	shalt  }
0x5f: {  	_ =	shalt  }
0x60: {  	_ =	shalt  }
0x61: {  	_ =	shalt  }
0x62: {  	_ =	shalt  }
0x63: {  	_ =	shalt  }
0x64: {  	_ =	shalt  }
0x65: {  	_ =	shalt  }
0x66: {  	_ =	shalt  }
0x67: {  	_ =	shalt  }
0x68: {  	_ =	shalt  }
0x69: {  	_ =	shalt  }
0x6a: {  	_ =	shalt  }
0x6b: {  	_ =	shalt  }
0x6c: {  	_ =	shalt  }
0x6d: {  	_ =	shalt  }
0x6e: {  	_ =	shalt  }
0x6f: {  	_ =	shalt  }
0x70: {  	_ =	shalt  }
0x71: {  	_ =	shalt  }
0x72: {  	_ =	shalt  }
0x73: {  	_ =	shalt  }
0x74: {  	_ =	shalt  }
0x75: {  	_ =	shalt  }
0x76: {  	_ =	shalt  }
0x77: {  	_ =	shalt  }
0x78: {  	_ =	shalt  }
0x79: {  	_ =	shalt  }
0x7a: {  	_ =	shalt  }
0x7b: {  	_ =	shalt  }
0x7c: {  	_ =	shalt  }
0x7d: {  	_ =	shalt  }
0x7e: {  	_ =	shalt  }
0x7f: {  	_ =	shalt  }
0x80: {  	_ =	shalt  }
0x81: {  	_ =	shalt  }
0x82: {  	_ =	shalt  }
0x83: {  	_ =	shalt  }
0x84: {  	_ =	shalt  }
0x85: {  	_ =	shalt  }
0x86: {  	_ =	shalt  }
0x87: {  	_ =	shalt  }
.Lfunc_end0:
.L_simem_size_0:
called_computation_lowered:
.L_overlay_start_0:
0x88: {  	s2 =	sld [smem:$0x3FD9]  }
0x89: {  	s3 =	sld [smem:$0x3FFE];
	_ =	sdelay $0x1  }
0x8a: {  	s1 =	srdreg.scid  }
0x8b: {  	s0 =	sand.u32 $0x1, s1  }
0x8c: {  	s17 =	sshll.u32 s0, $0xA;
	s2 =	sadd.s32 s3, s2  }
0x8d: {  	s2 =	sadd.s32 s2, s17  }
0x8e: {  	[smem:$0x3FC4] =	sst s2  }
0x8f: {  	_ = 	snop  }
0x90: {  	s2 =	sld [smem:$0x3FD0];
	(tm) =	ssettm $0x1  }
0x91: {  	s18 =	sld [smem:$0x3FFB];
	_ =	sdelay $0x3  }
0x92: {  	_ =	strace s18  }
0x93: {  	s3 =	sld [smem:$0x3FFC];
	_ =	sdelay $0x3  }
0x94: {  	_ =	strace s3  }
0x95: {  	s3 =	sld [smem:$0x3FFD];
	_ =	sdelay $0x3  }
0x96: {  	_ =	strace s3  }
0x97: {  	_ =	strace $0x8FFFFFFF  }
0x98: {  	s19 =	sld [smem:$0x3FDB];
	_ =	sdelay $0x1  }
0x99: {  	s4 =	simm.s32 $_scs_section_size  }
0x9a: {  	s5 =	simm.s32 $_size__tile_overlayer_lowered;
	s6 =	simm.s32 $_tile_overlayer_lowered  }
0x9b: {  	s22 =	simm.s32 $0x1BFF;
	s21 =	sshll.u32 s6, $0x1;
	s3 =	sadd.s32 s4, s19  }
0x9c: {  	s7 =	simm.s32 $0x0;
	s20 =	sshll.u32 s5, $0x1;
	s5 =	sadd.s32 s21, s3  }
0x9d: {  	[timem:s7], [sflag:s22] =	dma.local [hbm:s5], s20  }
0x9e: {  	_ =	swait.ge [sflag:s22], s20  }
0x9f: {  	s4 =	ssub.s32 $0x0, s20;
	[sflag:s22] =	ssyncset.done $0x0  }
0xa0: {  	[sflag:s22] =	ssyncadd.s32 s4;
	_ =	sdelay $0x1  }
0xa1: {  	s23 =	simm.s32 $0x1B8B  }
0xa2: {  	_ =	swait.ge [sflag:s23], $0x1  }
0xa3: {  	[sflag:s23] =	ssyncset.done $0x0  }
0xa4: {  	s25 =	simm.s32 $0x1B8E;
	s24 =	sld [smem:$0x3FFE];
	[sflag:s23] =	ssyncadd.s32 $0xFFFFFFFF  }
0xa5: {  	s26 =	simm.s32 $execute0_lowered;
	[smem:$0x3FD2] =	sst s25  }
0xa6: {  	s5 =	sshll.u32 s26, $0x1;
	_ =	strace $0x80000046;
	[dreg:$0x1] =	wrdreg $0xFFFFFFFF  }
0xa7: {  	s28 =	simm.s32 $_size_execute0_lowered;
	s3 =	sadd.s32 s3, s5;
	[dreg:$0x0] =	wrdreg $0x0  }
0xa8: {  	s5 =	sshll.u32 s28, $0x1;
	[dreg:$0x2] =	wrdreg s3  }
0xa9: {  	[dreg:$0x3] =	wrdreg s5  }
0xaa: {  	[dreg:$0x4] =	wrdreg $0xC0  }
0xab: {  	_ =	task [dreg:s7], $0x5FFFF  }
0xac: {  	[dreg:$0x1] =	wrdreg $0xFFFFFFFF  }
0xad: {  	[dreg:$0x0] =	wrdreg $0x60  }
0xae: {  	[dreg:$0x2] =	wrdreg s2  }
0xaf: {  	[dreg:$0x3] =	wrdreg s24  }
0xb0: {  	[dreg:$0x4] =	wrdreg $0x9  }
0xb1: {  	_ =	task.clear_ibuf [dreg:s7], $0x5FFFF;
	_ =	strace $0x90000046  }
0xb2: {  	s29 =	simm.s32 $0x9;
	_ =	strace $0x80000048  }
0xb3: {  	_ =	swait.ge [sflag:s29], $0x1  }
0xb4: {  	[sflag:s29] =	ssyncadd.s32 $0xFFFFFFFF  }
0xb5: {  	_ =	strace $0x90000048  }
0xb6: {  	_ =	sfence  }
0xb7: {  	s30 =	sld [smem:$0x0];
	_ =	sdelay $0x2  }
0xb8: {  	s31 =	sshll.u32 s1, $0xD;
	s1 =	sshrl.u32 s1, $0x2  }
0xb9: {  	s3 =	sand.u32 $0x4000, s31;
	s1 =	sadd.s32 s1, s30  }
0xba: {  	s0 =	sor.u32 s3, s0;
	s1 =	sshll.u32 s1, $0x11  }
0xbb: {  	s0 =	sor.u32 s1, s0  }
0xbc: {  	s0 =	sadd.s32 $0x8F2B, s0  }
0xbd: {  	[sflag:s0] =	ssyncadd.remote.s32 $0x1  }
0xbe: {  	_ =	sfence.sel $0xFFFF  }
0xbf: {  	[dreg:$0x0] =	wrdreg $0xFFFFFFFF;
	(pc) =	sbr.abs _section_cstart, $3  }
0xc0: {  	[dreg:$0x1] =	wrdreg $0xFFFFFFFF  }
0xc1: {  	_ =	task.clear_ibuf [dreg:s7], $0x2FFFF;
	_ =	strace $0x9FFFFFFF  }
0xc2: {  	(tm) =	ssettm $0x7FFFFFFF  }
0xc3: {  	_ =	shalt  }
tec
execute0_lowered:
.L_overlay_start_1:
0x0: {  	(tag) =	ssettag $0x1  }
0x1: {  	v0 =	vimm.s32 $0x4380;
	vm0 =	vcmask $0x300  }
0x2: {  	vm14 =	vcmask $0x704;
	v0 =	vsel vm0, $0x0, v0  }
0x3: {  	vm15 =	vcmask $0xB08;
	v0 =	vsel vm14, $0x80, v0  }
0x4: {  	vm4 =	vcmask $0xF0C;
	v0 =	vsel vm15, $0x100, v0  }
0x5: {  	vm5 =	vcmask $0x1310;
	v0 =	vsel vm4, $0x180, v0  }
0x6: {  	vm6 =	vcmask $0x1714;
	v0 =	vsel vm5, $0x200, v0  }
0x7: {  	vm7 =	vcmask $0x1B18;
	v0 =	vsel vm6, $0x280, v0  }
0x8: {  	vm8 =	vcmask $0x1F1C;
	v0 =	vsel vm7, $0x300, v0  }
0x9: {  	vm9 =	vcmask $0x2320;
	v0 =	vsel vm8, $0x380, v0  }
0xa: {  	vm10 =	vcmask $0x2724;
	v0 =	vsel vm9, $0x4000, v0  }
0xb: {  	vm11 =	vcmask $0x2B28;
	v0 =	vsel vm10, $0x4080, v0  }
0xc: {  	vm12 =	vcmask $0x2F2C;
	v0 =	vsel vm11, $0x4100, v0  }
0xd: {  	vm13 =	vcmask $0x3330;
	v0 =	vsel vm12, $0x4180, v0  }
0xe: {  	v1 =	vlaneseq.u32;
	vm14 =	vcmask $0x3734;
	v2 =	vsel vm13, $0x4200, v0  }
0xf: {  	vm15 =	vcmask $0x3B38;
	v0 =	vmul.u32 $0x10, v1;
	v2 =	vsel vm14, $0x4280, v2  }
0x10: {  	v1 =	vimm.f32 $0.0e+00;
	v2 =	vsel vm15, $0x4300, v2  }
0x11: {  	v3 =	vor.u32 $0x1, v0;
	v4 =	vor.u32 $0x2, v0;
	v5 =	vor.u32 $0x3, v0  }
0x12: {  	v6 =	vor.u32 $0x4, v0;
	v7 =	vor.u32 $0x5, v0;
	v8 =	vor.u32 $0x6, v0  }
0x13: {  	v9 =	vor.u32 $0x7, v0;
	v10 =	vor.u32 $0x8, v0;
	v11 =	vor.u32 $0x9, v0  }
0x14: {  	s3 =	rddreg [dreg:$0x0];
	v12 =	vor.u32 $0xA, v0;
	v13 =	vor.u32 $0xB, v0;
	v14 =	vor.u32 $0xC, v0  }
0x15: {  	s4 =	rddreg [dreg:$0x1];
	v15 =	vor.u32 $0xD, v0;
	v16 =	vor.u32 $0xE, v0;
	v17 =	vor.u32 $0xF, v0  }
0x16: {  	s0 =	rddreg [dreg:$0x2];
	s5 =	srdreg.scid;
	v18 =	vor.u32 $0x100, v0;
	v19 =	vor.u32 $0x101, v0;
	v20 =	vor.u32 $0x102, v0  }
0x17: {  	s1 =	stileid.u32;
	s2 =	simm.s32 $0x0;
	s11 =	simm.s32 $0x10400;
	v21 =	vor.u32 $0x103, v0;
	v22 =	vor.u32 $0x104, v0;
	v23 =	vor.u32 $0x105, v0  }
0x18: {  	s12 =	simm.s32 $0x1;
	s13 =	simm.s32 $0x2;
	s14 =	simm.s32 $0x8000;
	v24 =	vor.u32 $0x106, v0;
	v25 =	vor.u32 $0x107, v0;
	v26 =	vor.u32 $0x108, v0  }
0x19: {  	s5 =	sand.u32 $0x1, s5;
	s6 =	sshll.u32 s1, $0x1;
	[smem:$0x7FF] =	sst s2;
	v27 =	vor.u32 $0x109, v0;
	v28 =	vor.u32 $0x10A, v0;
	v29 =	vor.u32 $0x10B, v0  }
0x1a: {  	s15 =	simm.s32 $0x0;
	s6 =	sor.u32 s5, s6;
	_ =	strace $0x80000047;
	v30 =	vor.u32 $0x10C, v0;
	v31 =	vor.u32 $0x10D, v0;
	v32 =	vor.u32 $0x10E, v0  }
0x1b: {  	s5 =	ssub.s32 $0x2, s5;
	s7 =	sshll.u32 s6, $0x7;
	s6 =	sshll.u32 s6, $0xE;
	v33 =	vor.u32 $0x10F, v0;
	v34 =	vor.u32 $0x200, v0;
	v35 =	vor.u32 $0x201, v0  }
0x1c: {  	s9 =	sshrl.u32 s5, $0x1;
	s8 =	sadd.s32 s7, s4;
	s10 =	sadd.s32 s6, s4;
	v36 =	vor.u32 $0x202, v0;
	v37 =	vor.u32 $0x203, v0;
	v38 =	vor.u32 $0x204, v0  }
0x1d: {  	s9 =	ssub.s32 s5, s9;
	s3 =	sadd.s32 s3, s7;
	s4 =	sadd.s32 $0x1600, s8;
	v39 =	vor.u32 $0x205, v0;
	v40 =	vor.u32 $0x206, v0;
	v41 =	vor.u32 $0x207, v0  }
0x1e: {  	s5 =	sadd.s32 $0x2600, s10;
	s6 =	sadd.s32 $0x3600, s10;
	s7 =	sadd.s32 $0x4600, s10;
	v42 =	vor.u32 $0x208, v0;
	v43 =	vor.u32 $0x209, v0;
	v44 =	vor.u32 $0x20A, v0  }
0x1f: {  	s8 =	sadd.s32 $0x5600, s10;
	s9 =	smax.u32 s9, $0x1;
	s10 =	simm.s32 $0x10000;
	v45 =	vor.u32 $0x20B, v0;
	v46 =	vor.u32 $0x20C, v0;
	v47 =	vor.u32 $0x20D, v0  }
.LBB2_1:
0x20: {  	[tilespmem:s10], [sflag:$0x1] =	stream.linear.gather [hbm4b:s3+s2], $0x400, $0x38;
	[tilespmem:$0x10800] =	vst v63  }
0x21: {  	s16 =	simm.s32 $0x0;
	s17 =	simm.s32 $0x0;
	s18 =	simm.s32 $0x0  }
0x22: {  	[tilespmem:s11], [sflag:$0x2] =	stream.linear.gather [hbm4b:s4+s2], $0x400, $0x38;
	[tilespmem:$0x10800] =	vst v63  }
.LBB2_2:
0x23: {  	s19 =	sshll.u32 s17, $0x2;
	s20 =	sand.u32 $0x7, s16  }
0x24: {  	s19 =	sand.u32 $0xFFFF0000, s19;
	s20 =	sshll.u32 s20, $0x9  }
0x25: {  	s19 =	sor.u32 s20, s19  }
0x26: {  	s19 =	sshrl.u32 s19, $0x2  }
0x27: {  	s19 =	sor.u32 $0x40, s19  }
0x28: {  	v48 =	vmov s19;
	_ =	sdelay $0x3  }
0x29: {  	s19 =	simm.s32 $0x0  }
0x2a: {  	[tilespmem:v48+s19+$0xFFFFFFC0 ss:$0x1] =	vst.idx.msk $0xffff, v1  }
0x2b: {  	[tilespmem:v48+s19+$0xFFFFFFD0 ss:$0x1] =	vst.idx.msk $0xffff, v1  }
0x2c: {  	[tilespmem:v48+s19+$0xFFFFFFE0 ss:$0x1] =	vst.idx.msk $0xffff, v1  }
0x2d: {  	s20 =	simm.s32 $0x1000;
	[tilespmem:v48+s19+$0xFFFFFFF0 ss:$0x1] =	vst.idx.msk $0xffff, v1  }
.LBB2_3:
0x2e: {  	s21 =	sshra.s32 s20, $0x2;
	p0 =	sne.s32 s20, $0xF000;
	[tilespmem:v48+s19+$0x0 ss:$0x1] =	vst.idx.msk $0xffff, v1  }
0x2f: {  	[tilespmem:v48+s21+$0xFFFFFFC0 ss:$0x1] =	vst.idx.msk $0xffff, v1  }
0x30: {  	[tilespmem:v48+s19+$0x10 ss:$0x1] =	vst.idx.msk $0xffff, v1  }
.Ltmp0:
0x31: {  	[tilespmem:v48+s19+$0x20 ss:$0x1] =	vst.idx.msk $0xffff, v1;
	(pc) =	sbr.rel @p0 .LBB2_3-.Ltmp0, $4  }
0x32: {  	[tilespmem:v48+s19+$0x30 ss:$0x1] =	vst.idx.msk $0xffff, v1;
	s19 =	smov.u32 s21  }
0x33: {  	[tilespmem:v48+s19+$0xFFFFFFD0 ss:$0x1] =	vst.idx.msk $0xffff, v1  }
0x34: {  	[tilespmem:v48+s19+$0xFFFFFFE0 ss:$0x1] =	vst.idx.msk $0xffff, v1  }
0x35: {  	s20 =	sadd.s32 $0x1000, s20;
	[tilespmem:v48+s19+$0xFFFFFFF0 ss:$0x1] =	vst.idx.msk $0xffff, v1  }
0x36: {  	_ = 	snop  }
0x37: {  	s18 =	sadd.s32 $0x1, s18  }
0x38: {  	p0 =	sne.s32 s18, $0x10  }
.Ltmp1:
0x39: {  	_ = 	snop;
	(pc) =	sbr.rel @p0 .LBB2_2-.Ltmp1, $4  }
0x3a: {  	[tilespmem:v48+s19+$0x0 ss:$0x1] =	vst.idx.msk $0xffff, v1  }
0x3b: {  	[tilespmem:v48+s19+$0x10 ss:$0x1] =	vst.idx.msk $0xffff, v1  }
0x3c: {  	[tilespmem:v48+s19+$0x20 ss:$0x1] =	vst.idx.msk $0xffff, v1  }
0x3d: {  	s17 =	sadd.s32 $0x800, s17;
	s16 =	sadd.s32 $0x1, s16;
	[tilespmem:v48+s19+$0x30 ss:$0x1] =	vst.idx.msk $0xffff, v1  }
0x3e: {  	_ =	swait.ge [sflag:s12], $0x400  }
0x3f: {  	[sflag:s12] =	ssyncset.done $0x0  }
0x40: {  	[sflag:s12] =	ssyncadd.s32 $0xFFFFFC00  }
0x41: {  	_ =	swait.ge [sflag:s13], $0x400  }
0x42: {  	[sflag:s13] =	ssyncset.done $0x0  }
0x43: {  	[sflag:s13] =	ssyncadd.s32 $0xFFFFFC00  }
0x44: {  	v48 =	vld.idx.msk [tilespmem:v0+s10+$0x0], $0xffff;
	_ =	sdelay $0x4  }
0x45: {  	v49 =	vshll.u32 v48, $0x3  }
0x46: {  	v48 =	vand.u32 $0x7F, v48;
	v49 =	vand.u32 $0xFFFFFC00, v49  }
0x47: {  	v48 =	vor.u32 v48, v49  }
0x48: {  	v57 =	vld.idx.msk [tilespmem:v0+s11+$0x0], $0xffff;
	v48 =	vadd.s32 v2, v48;
	_ =	sdelay $0x3  }
0x49: {  	s16 =	simm.s32 $0x0  }
0x4a: {  	[tilespmem:v48+s16+$0x0] =	vst.idx.add.f32.msk $0xffff, v57  }
0x4b: {  	v48 =	vld.idx.msk [tilespmem:v3+s10+$0x0], $0xffff;
	_ =	sdelay $0x4  }
0x4c: {  	v58 =	vshll.u32 v48, $0x3  }
0x4d: {  	v48 =	vand.u32 $0x7F, v48;
	v49 =	vand.u32 $0xFFFFFC00, v58  }
0x4e: {  	v48 =	vor.u32 v48, v49  }
0x4f: {  	v59 =	vld.idx.msk [tilespmem:v3+s11+$0x0], $0xffff;
	v48 =	vadd.s32 v2, v48;
	_ =	sdelay $0x4  }
0x50: {  	[tilespmem:v48+s16+$0x0] =	vst.idx.add.f32.msk $0xffff, v59  }
0x51: {  	v48 =	vld.idx.msk [tilespmem:v4+s10+$0x0], $0xffff;
	_ =	sdelay $0x4  }
0x52: {  	v60 =	vshll.u32 v48, $0x3  }
0x53: {  	v48 =	vand.u32 $0x7F, v48;
	v49 =	vand.u32 $0xFFFFFC00, v60  }
0x54: {  	v48 =	vor.u32 v48, v49  }
0x55: {  	v61 =	vld.idx.msk [tilespmem:v4+s11+$0x0], $0xffff;
	v48 =	vadd.s32 v2, v48;
	_ =	sdelay $0x4  }
0x56: {  	[tilespmem:v48+s16+$0x0] =	vst.idx.add.f32.msk $0xffff, v61  }
0x57: {  	v48 =	vld.idx.msk [tilespmem:v5+s10+$0x0], $0xffff;
	_ =	sdelay $0x4  }
0x58: {  	v62 =	vshll.u32 v48, $0x3  }
0x59: {  	v48 =	vand.u32 $0x7F, v48;
	v49 =	vand.u32 $0xFFFFFC00, v62  }
0x5a: {  	v48 =	vor.u32 v48, v49  }
0x5b: {  	v63 =	vld.idx.msk [tilespmem:v5+s11+$0x0], $0xffff;
	v48 =	vadd.s32 v2, v48;
	_ =	sdelay $0x4  }
0x5c: {  	[tilespmem:v48+s16+$0x0] =	vst.idx.add.f32.msk $0xffff, v63  }
0x5d: {  	v48 =	vld.idx.msk [tilespmem:v6+s10+$0x0], $0xffff;
	_ =	sdelay $0x4  }
0x5e: {  	v52 =	vshll.u32 v48, $0x3  }
0x5f: {  	v48 =	vand.u32 $0x7F, v48;
	v49 =	vand.u32 $0xFFFFFC00, v52  }
0x60: {  	v48 =	vor.u32 v48, v49  }
0x61: {  	v53 =	vld.idx.msk [tilespmem:v6+s11+$0x0], $0xffff;
	v48 =	vadd.s32 v2, v48;
	_ =	sdelay $0x4  }
0x62: {  	[tilespmem:v48+s16+$0x0] =	vst.idx.add.f32.msk $0xffff, v53  }
0x63: {  	v48 =	vld.idx.msk [tilespmem:v7+s10+$0x0], $0xffff;
	_ =	sdelay $0x4  }
0x64: {  	v54 =	vshll.u32 v48, $0x3  }
0x65: {  	v48 =	vand.u32 $0x7F, v48;
	v49 =	vand.u32 $0xFFFFFC00, v54  }
0x66: {  	v48 =	vor.u32 v48, v49  }
0x67: {  	v55 =	vld.idx.msk [tilespmem:v7+s11+$0x0], $0xffff;
	v48 =	vadd.s32 v2, v48;
	_ =	sdelay $0x4  }
0x68: {  	[tilespmem:v48+s16+$0x0] =	vst.idx.add.f32.msk $0xffff, v55  }
0x69: {  	v48 =	vld.idx.msk [tilespmem:v8+s10+$0x0], $0xffff;
	_ =	sdelay $0x4  }
0x6a: {  	v56 =	vshll.u32 v48, $0x3  }
0x6b: {  	v48 =	vand.u32 $0x7F, v48;
	v49 =	vand.u32 $0xFFFFFC00, v56  }
0x6c: {  	v48 =	vor.u32 v48, v49  }
0x6d: {  	v57 =	vld.idx.msk [tilespmem:v8+s11+$0x0], $0xffff;
	v48 =	vadd.s32 v2, v48;
	_ =	sdelay $0x4  }
0x6e: {  	[tilespmem:v48+s16+$0x0] =	vst.idx.add.f32.msk $0xffff, v57  }
0x6f: {  	v48 =	vld.idx.msk [tilespmem:v9+s10+$0x0], $0xffff;
	_ =	sdelay $0x4  }
0x70: {  	v58 =	vshll.u32 v48, $0x3  }
0x71: {  	v48 =	vand.u32 $0x7F, v48;
	v49 =	vand.u32 $0xFFFFFC00, v58  }
0x72: {  	v48 =	vor.u32 v48, v49  }
0x73: {  	v59 =	vld.idx.msk [tilespmem:v9+s11+$0x0], $0xffff;
	v48 =	vadd.s32 v2, v48;
	_ =	sdelay $0x4  }
0x74: {  	[tilespmem:v48+s16+$0x0] =	vst.idx.add.f32.msk $0xffff, v59  }
0x75: {  	v48 =	vld.idx.msk [tilespmem:v10+s10+$0x0], $0xffff;
	_ =	sdelay $0x4  }
0x76: {  	v60 =	vshll.u32 v48, $0x3  }
0x77: {  	v48 =	vand.u32 $0x7F, v48;
	v49 =	vand.u32 $0xFFFFFC00, v60  }
0x78: {  	v48 =	vor.u32 v48, v49  }
0x79: {  	v61 =	vld.idx.msk [tilespmem:v10+s11+$0x0], $0xffff;
	v48 =	vadd.s32 v2, v48;
	_ =	sdelay $0x4  }
0x7a: {  	[tilespmem:v48+s16+$0x0] =	vst.idx.add.f32.msk $0xffff, v61  }
0x7b: {  	v48 =	vld.idx.msk [tilespmem:v11+s10+$0x0], $0xffff;
	_ =	sdelay $0x4  }
0x7c: {  	v62 =	vshll.u32 v48, $0x3  }
0x7d: {  	v48 =	vand.u32 $0x7F, v48;
	v49 =	vand.u32 $0xFFFFFC00, v62  }
0x7e: {  	v48 =	vor.u32 v48, v49  }
0x7f: {  	v63 =	vld.idx.msk [tilespmem:v11+s11+$0x0], $0xffff;
	v48 =	vadd.s32 v2, v48;
	_ =	sdelay $0x4  }
0x80: {  	[tilespmem:v48+s16+$0x0] =	vst.idx.add.f32.msk $0xffff, v63  }
0x81: {  	v48 =	vld.idx.msk [tilespmem:v12+s10+$0x0], $0xffff;
	_ =	sdelay $0x4  }
0x82: {  	v52 =	vshll.u32 v48, $0x3  }
0x83: {  	v48 =	vand.u32 $0x7F, v48;
	v49 =	vand.u32 $0xFFFFFC00, v52  }
0x84: {  	v48 =	vor.u32 v48, v49  }
0x85: {  	v53 =	vld.idx.msk [tilespmem:v12+s11+$0x0], $0xffff;
	v48 =	vadd.s32 v2, v48;
	_ =	sdelay $0x4  }
0x86: {  	[tilespmem:v48+s16+$0x0] =	vst.idx.add.f32.msk $0xffff, v53  }
0x87: {  	v48 =	vld.idx.msk [tilespmem:v13+s10+$0x0], $0xffff;
	_ =	sdelay $0x4  }
0x88: {  	v54 =	vshll.u32 v48, $0x3  }
0x89: {  	v48 =	vand.u32 $0x7F, v48;
	v49 =	vand.u32 $0xFFFFFC00, v54  }
0x8a: {  	v48 =	vor.u32 v48, v49  }
0x8b: {  	v55 =	vld.idx.msk [tilespmem:v13+s11+$0x0], $0xffff;
	v48 =	vadd.s32 v2, v48;
	_ =	sdelay $0x4  }
0x8c: {  	[tilespmem:v48+s16+$0x0] =	vst.idx.add.f32.msk $0xffff, v55  }
0x8d: {  	v48 =	vld.idx.msk [tilespmem:v14+s10+$0x0], $0xffff;
	_ =	sdelay $0x4  }
0x8e: {  	v56 =	vshll.u32 v48, $0x3  }
0x8f: {  	v48 =	vand.u32 $0x7F, v48;
	v49 =	vand.u32 $0xFFFFFC00, v56  }
0x90: {  	v48 =	vor.u32 v48, v49  }
0x91: {  	v57 =	vld.idx.msk [tilespmem:v14+s11+$0x0], $0xffff;
	v48 =	vadd.s32 v2, v48;
	_ =	sdelay $0x4  }
0x92: {  	[tilespmem:v48+s16+$0x0] =	vst.idx.add.f32.msk $0xffff, v57  }
0x93: {  	v48 =	vld.idx.msk [tilespmem:v15+s10+$0x0], $0xffff;
	_ =	sdelay $0x4  }
0x94: {  	v58 =	vshll.u32 v48, $0x3  }
0x95: {  	v48 =	vand.u32 $0x7F, v48;
	v49 =	vand.u32 $0xFFFFFC00, v58  }
0x96: {  	v48 =	vor.u32 v48, v49  }
0x97: {  	v59 =	vld.idx.msk [tilespmem:v15+s11+$0x0], $0xffff;
	v48 =	vadd.s32 v2, v48;
	_ =	sdelay $0x4  }
0x98: {  	[tilespmem:v48+s16+$0x0] =	vst.idx.add.f32.msk $0xffff, v59  }
0x99: {  	v48 =	vld.idx.msk [tilespmem:v16+s10+$0x0], $0xffff;
	_ =	sdelay $0x4  }
0x9a: {  	v60 =	vshll.u32 v48, $0x3  }
0x9b: {  	v48 =	vand.u32 $0x7F, v48;
	v49 =	vand.u32 $0xFFFFFC00, v60  }
0x9c: {  	v48 =	vor.u32 v48, v49  }
0x9d: {  	v61 =	vld.idx.msk [tilespmem:v16+s11+$0x0], $0xffff;
	v48 =	vadd.s32 v2, v48;
	_ =	sdelay $0x4  }
0x9e: {  	[tilespmem:v48+s16+$0x0] =	vst.idx.add.f32.msk $0xffff, v61  }
0x9f: {  	v48 =	vld.idx.msk [tilespmem:v17+s10+$0x0], $0xffff;
	_ =	sdelay $0x4  }
0xa0: {  	v62 =	vshll.u32 v48, $0x3  }
0xa1: {  	v48 =	vand.u32 $0x7F, v48;
	v49 =	vand.u32 $0xFFFFFC00, v62  }
0xa2: {  	v48 =	vor.u32 v48, v49  }
0xa3: {  	v63 =	vld.idx.msk [tilespmem:v17+s11+$0x0], $0xffff;
	v48 =	vadd.s32 v2, v48;
	_ =	sdelay $0x4  }
0xa4: {  	s17 =	simm.s32 $0x0;
	s18 =	simm.s32 $0x0;
	[tilespmem:v48+s16+$0x0] =	vst.idx.add.f32.msk $0xffff, v63  }
0xa5: {  	[hbm4b:s5+s16] =	stream.linear.scatter [tilespmem:s16], [sflag:$0x1], $0x8000, $0x38;
	[tilespmem:$0x10800] =	vst v63  }
.LBB2_6:
0xa6: {  	s19 =	sshll.u32 s17, $0x2;
	s20 =	sand.u32 $0x7, s16  }
0xa7: {  	s19 =	sand.u32 $0xFFFF0000, s19;
	s20 =	sshll.u32 s20, $0x9  }
0xa8: {  	s19 =	sor.u32 s20, s19  }
0xa9: {  	s19 =	sshrl.u32 s19, $0x2  }
0xaa: {  	s19 =	sadd.s32 $0x8040, s19  }
0xab: {  	v48 =	vmov s19;
	_ =	sdelay $0x3  }
0xac: {  	s19 =	simm.s32 $0x0  }
0xad: {  	[tilespmem:v48+s19+$0xFFFFFFC0 ss:$0x1] =	vst.idx.msk $0xffff, v1  }
0xae: {  	[tilespmem:v48+s19+$0xFFFFFFD0 ss:$0x1] =	vst.idx.msk $0xffff, v1  }
0xaf: {  	[tilespmem:v48+s19+$0xFFFFFFE0 ss:$0x1] =	vst.idx.msk $0xffff, v1  }
0xb0: {  	s20 =	simm.s32 $0x1000;
	[tilespmem:v48+s19+$0xFFFFFFF0 ss:$0x1] =	vst.idx.msk $0xffff, v1  }
.LBB2_7:
0xb1: {  	s21 =	sshra.s32 s20, $0x2;
	p0 =	sne.s32 s20, $0xF000;
	[tilespmem:v48+s19+$0x0 ss:$0x1] =	vst.idx.msk $0xffff, v1  }
0xb2: {  	[tilespmem:v48+s21+$0xFFFFFFC0 ss:$0x1] =	vst.idx.msk $0xffff, v1  }
0xb3: {  	[tilespmem:v48+s19+$0x10 ss:$0x1] =	vst.idx.msk $0xffff, v1  }
.Ltmp2:
0xb4: {  	[tilespmem:v48+s19+$0x20 ss:$0x1] =	vst.idx.msk $0xffff, v1;
	(pc) =	sbr.rel @p0 .LBB2_7-.Ltmp2, $4  }
0xb5: {  	[tilespmem:v48+s19+$0x30 ss:$0x1] =	vst.idx.msk $0xffff, v1;
	s19 =	smov.u32 s21  }
0xb6: {  	[tilespmem:v48+s19+$0xFFFFFFD0 ss:$0x1] =	vst.idx.msk $0xffff, v1  }
0xb7: {  	[tilespmem:v48+s19+$0xFFFFFFE0 ss:$0x1] =	vst.idx.msk $0xffff, v1  }
0xb8: {  	s20 =	sadd.s32 $0x1000, s20;
	[tilespmem:v48+s19+$0xFFFFFFF0 ss:$0x1] =	vst.idx.msk $0xffff, v1  }
0xb9: {  	_ = 	snop  }
0xba: {  	s18 =	sadd.s32 $0x1, s18  }
0xbb: {  	p0 =	sne.s32 s18, $0x10  }
.Ltmp3:
0xbc: {  	_ = 	snop;
	(pc) =	sbr.rel @p0 .LBB2_6-.Ltmp3, $4  }
0xbd: {  	[tilespmem:v48+s19+$0x0 ss:$0x1] =	vst.idx.msk $0xffff, v1  }
0xbe: {  	[tilespmem:v48+s19+$0x10 ss:$0x1] =	vst.idx.msk $0xffff, v1  }
0xbf: {  	[tilespmem:v48+s19+$0x20 ss:$0x1] =	vst.idx.msk $0xffff, v1  }
0xc0: {  	s17 =	sadd.s32 $0x800, s17;
	s16 =	sadd.s32 $0x1, s16;
	[tilespmem:v48+s19+$0x30 ss:$0x1] =	vst.idx.msk $0xffff, v1  }
0xc1: {  	_ =	sdelay $0x3  }
0xc2: {  	v48 =	vld.idx.msk [tilespmem:v18+s10+$0x0], $0xffff;
	_ =	sdelay $0x4  }
0xc3: {  	v49 =	vshll.u32 v48, $0x3  }
0xc4: {  	v48 =	vand.u32 $0x7F, v48;
	v49 =	vand.u32 $0xFFFFFC00, v49  }
0xc5: {  	v48 =	vor.u32 v48, v49  }
0xc6: {  	v63 =	vld.idx.msk [tilespmem:v18+s11+$0x0], $0xffff;
	v48 =	vadd.s32 v2, v48;
	_ =	sdelay $0x4  }
0xc7: {  	[tilespmem:v48+s14+$0x0] =	vst.idx.add.f32.msk $0xffff, v63  }
0xc8: {  	v48 =	vld.idx.msk [tilespmem:v19+s10+$0x0], $0xffff;
	_ =	sdelay $0x4  }
0xc9: {  	v52 =	vshll.u32 v48, $0x3  }
0xca: {  	v48 =	vand.u32 $0x7F, v48;
	v49 =	vand.u32 $0xFFFFFC00, v52  }
0xcb: {  	v48 =	vor.u32 v48, v49  }
0xcc: {  	v53 =	vld.idx.msk [tilespmem:v19+s11+$0x0], $0xffff;
	v48 =	vadd.s32 v2, v48;
	_ =	sdelay $0x4  }
0xcd: {  	[tilespmem:v48+s14+$0x0] =	vst.idx.add.f32.msk $0xffff, v53  }
0xce: {  	v48 =	vld.idx.msk [tilespmem:v20+s10+$0x0], $0xffff;
	_ =	sdelay $0x4  }
0xcf: {  	v54 =	vshll.u32 v48, $0x3  }
0xd0: {  	v48 =	vand.u32 $0x7F, v48;
	v49 =	vand.u32 $0xFFFFFC00, v54  }
0xd1: {  	v48 =	vor.u32 v48, v49  }
0xd2: {  	v55 =	vld.idx.msk [tilespmem:v20+s11+$0x0], $0xffff;
	v48 =	vadd.s32 v2, v48;
	_ =	sdelay $0x4  }
0xd3: {  	[tilespmem:v48+s14+$0x0] =	vst.idx.add.f32.msk $0xffff, v55  }
0xd4: {  	v48 =	vld.idx.msk [tilespmem:v21+s10+$0x0], $0xffff;
	_ =	sdelay $0x4  }
0xd5: {  	v56 =	vshll.u32 v48, $0x3  }
0xd6: {  	v48 =	vand.u32 $0x7F, v48;
	v49 =	vand.u32 $0xFFFFFC00, v56  }
0xd7: {  	v48 =	vor.u32 v48, v49  }
0xd8: {  	v57 =	vld.idx.msk [tilespmem:v21+s11+$0x0], $0xffff;
	v48 =	vadd.s32 v2, v48;
	_ =	sdelay $0x4  }
0xd9: {  	[tilespmem:v48+s14+$0x0] =	vst.idx.add.f32.msk $0xffff, v57  }
0xda: {  	v48 =	vld.idx.msk [tilespmem:v22+s10+$0x0], $0xffff;
	_ =	sdelay $0x4  }
0xdb: {  	v58 =	vshll.u32 v48, $0x3  }
0xdc: {  	v48 =	vand.u32 $0x7F, v48;
	v49 =	vand.u32 $0xFFFFFC00, v58  }
0xdd: {  	v48 =	vor.u32 v48, v49  }
0xde: {  	v59 =	vld.idx.msk [tilespmem:v22+s11+$0x0], $0xffff;
	v48 =	vadd.s32 v2, v48;
	_ =	sdelay $0x4  }
0xdf: {  	[tilespmem:v48+s14+$0x0] =	vst.idx.add.f32.msk $0xffff, v59  }
0xe0: {  	v48 =	vld.idx.msk [tilespmem:v23+s10+$0x0], $0xffff;
	_ =	sdelay $0x4  }
0xe1: {  	v60 =	vshll.u32 v48, $0x3  }
0xe2: {  	v48 =	vand.u32 $0x7F, v48;
	v49 =	vand.u32 $0xFFFFFC00, v60  }
0xe3: {  	v48 =	vor.u32 v48, v49  }
0xe4: {  	v61 =	vld.idx.msk [tilespmem:v23+s11+$0x0], $0xffff;
	v48 =	vadd.s32 v2, v48;
	_ =	sdelay $0x4  }
0xe5: {  	[tilespmem:v48+s14+$0x0] =	vst.idx.add.f32.msk $0xffff, v61  }
0xe6: {  	v48 =	vld.idx.msk [tilespmem:v24+s10+$0x0], $0xffff;
	_ =	sdelay $0x4  }
0xe7: {  	v62 =	vshll.u32 v48, $0x3  }
0xe8: {  	v48 =	vand.u32 $0x7F, v48;
	v49 =	vand.u32 $0xFFFFFC00, v62  }
0xe9: {  	v48 =	vor.u32 v48, v49  }
0xea: {  	v63 =	vld.idx.msk [tilespmem:v24+s11+$0x0], $0xffff;
	v48 =	vadd.s32 v2, v48;
	_ =	sdelay $0x4  }
0xeb: {  	[tilespmem:v48+s14+$0x0] =	vst.idx.add.f32.msk $0xffff, v63  }
0xec: {  	v48 =	vld.idx.msk [tilespmem:v25+s10+$0x0], $0xffff;
	_ =	sdelay $0x4  }
0xed: {  	v52 =	vshll.u32 v48, $0x3  }
0xee: {  	v48 =	vand.u32 $0x7F, v48;
	v49 =	vand.u32 $0xFFFFFC00, v52  }
0xef: {  	v48 =	vor.u32 v48, v49  }
0xf0: {  	v53 =	vld.idx.msk [tilespmem:v25+s11+$0x0], $0xffff;
	v48 =	vadd.s32 v2, v48;
	_ =	sdelay $0x4  }
0xf1: {  	[tilespmem:v48+s14+$0x0] =	vst.idx.add.f32.msk $0xffff, v53  }
0xf2: {  	v48 =	vld.idx.msk [tilespmem:v26+s10+$0x0], $0xffff;
	_ =	sdelay $0x4  }
0xf3: {  	v54 =	vshll.u32 v48, $0x3  }
0xf4: {  	v48 =	vand.u32 $0x7F, v48;
	v49 =	vand.u32 $0xFFFFFC00, v54  }
0xf5: {  	v48 =	vor.u32 v48, v49  }
0xf6: {  	v55 =	vld.idx.msk [tilespmem:v26+s11+$0x0], $0xffff;
	v48 =	vadd.s32 v2, v48;
	_ =	sdelay $0x4  }
0xf7: {  	[tilespmem:v48+s14+$0x0] =	vst.idx.add.f32.msk $0xffff, v55  }
0xf8: {  	v48 =	vld.idx.msk [tilespmem:v27+s10+$0x0], $0xffff;
	_ =	sdelay $0x4  }
0xf9: {  	v56 =	vshll.u32 v48, $0x3  }
0xfa: {  	v48 =	vand.u32 $0x7F, v48;
	v49 =	vand.u32 $0xFFFFFC00, v56  }
0xfb: {  	v48 =	vor.u32 v48, v49  }
0xfc: {  	v57 =	vld.idx.msk [tilespmem:v27+s11+$0x0], $0xffff;
	v48 =	vadd.s32 v2, v48;
	_ =	sdelay $0x4  }
0xfd: {  	[tilespmem:v48+s14+$0x0] =	vst.idx.add.f32.msk $0xffff, v57  }
0xfe: {  	v48 =	vld.idx.msk [tilespmem:v28+s10+$0x0], $0xffff;
	_ =	sdelay $0x4  }
0xff: {  	v58 =	vshll.u32 v48, $0x3  }
0x100: {  	v48 =	vand.u32 $0x7F, v48;
	v49 =	vand.u32 $0xFFFFFC00, v58  }
0x101: {  	v48 =	vor.u32 v48, v49  }
0x102: {  	v59 =	vld.idx.msk [tilespmem:v28+s11+$0x0], $0xffff;
	v48 =	vadd.s32 v2, v48;
	_ =	sdelay $0x4  }
0x103: {  	[tilespmem:v48+s14+$0x0] =	vst.idx.add.f32.msk $0xffff, v59  }
0x104: {  	v48 =	vld.idx.msk [tilespmem:v29+s10+$0x0], $0xffff;
	_ =	sdelay $0x4  }
0x105: {  	v60 =	vshll.u32 v48, $0x3  }
0x106: {  	v48 =	vand.u32 $0x7F, v48;
	v49 =	vand.u32 $0xFFFFFC00, v60  }
0x107: {  	v48 =	vor.u32 v48, v49  }
0x108: {  	v61 =	vld.idx.msk [tilespmem:v29+s11+$0x0], $0xffff;
	v48 =	vadd.s32 v2, v48;
	_ =	sdelay $0x4  }
0x109: {  	[tilespmem:v48+s14+$0x0] =	vst.idx.add.f32.msk $0xffff, v61  }
0x10a: {  	v48 =	vld.idx.msk [tilespmem:v30+s10+$0x0], $0xffff;
	_ =	sdelay $0x4  }
0x10b: {  	v62 =	vshll.u32 v48, $0x3  }
0x10c: {  	v48 =	vand.u32 $0x7F, v48;
	v49 =	vand.u32 $0xFFFFFC00, v62  }
0x10d: {  	v48 =	vor.u32 v48, v49  }
0x10e: {  	v63 =	vld.idx.msk [tilespmem:v30+s11+$0x0], $0xffff;
	v48 =	vadd.s32 v2, v48;
	_ =	sdelay $0x4  }
0x10f: {  	[tilespmem:v48+s14+$0x0] =	vst.idx.add.f32.msk $0xffff, v63  }
0x110: {  	v48 =	vld.idx.msk [tilespmem:v31+s10+$0x0], $0xffff;
	_ =	sdelay $0x4  }
0x111: {  	v52 =	vshll.u32 v48, $0x3  }
0x112: {  	v48 =	vand.u32 $0x7F, v48;
	v49 =	vand.u32 $0xFFFFFC00, v52  }
0x113: {  	v48 =	vor.u32 v48, v49  }
0x114: {  	v53 =	vld.idx.msk [tilespmem:v31+s11+$0x0], $0xffff;
	v48 =	vadd.s32 v2, v48;
	_ =	sdelay $0x4  }
0x115: {  	[tilespmem:v48+s14+$0x0] =	vst.idx.add.f32.msk $0xffff, v53  }
0x116: {  	v48 =	vld.idx.msk [tilespmem:v32+s10+$0x0], $0xffff;
	_ =	sdelay $0x4  }
0x117: {  	v54 =	vshll.u32 v48, $0x3  }
0x118: {  	v48 =	vand.u32 $0x7F, v48;
	v49 =	vand.u32 $0xFFFFFC00, v54  }
0x119: {  	v48 =	vor.u32 v48, v49  }
0x11a: {  	v55 =	vld.idx.msk [tilespmem:v32+s11+$0x0], $0xffff;
	v48 =	vadd.s32 v2, v48;
	_ =	sdelay $0x4  }
0x11b: {  	[tilespmem:v48+s14+$0x0] =	vst.idx.add.f32.msk $0xffff, v55  }
0x11c: {  	v48 =	vld.idx.msk [tilespmem:v33+s10+$0x0], $0xffff;
	_ =	sdelay $0x4  }
0x11d: {  	v56 =	vshll.u32 v48, $0x3  }
0x11e: {  	v48 =	vand.u32 $0x7F, v48;
	v49 =	vand.u32 $0xFFFFFC00, v56  }
0x11f: {  	v48 =	vor.u32 v48, v49  }
0x120: {  	v57 =	vld.idx.msk [tilespmem:v33+s11+$0x0], $0xffff;
	v48 =	vadd.s32 v2, v48;
	_ =	sdelay $0x4  }
0x121: {  	[tilespmem:v48+s14+$0x0] =	vst.idx.add.f32.msk $0xffff, v57  }
0x122: {  	[hbm4b:s6+s2] =	stream.linear.scatter [tilespmem:s14], [sflag:$0x2], $0x8000, $0x38;
	[tilespmem:$0x10800] =	vst v63  }
0x123: {  	_ =	swait.ge [sflag:s12], $0x8000  }
0x124: {  	[sflag:s12] =	ssyncset.done $0x0  }
0x125: {  	[sflag:s12] =	ssyncadd.s32 $0xFFFF8000  }
0x126: {  	v58 =	vld.idx.msk [tilespmem:v0+s10+$0x0], $0xffff;
	_ =	sdelay $0x4  }
0x127: {  	v59 =	vshll.u32 v58, $0x3  }
0x128: {  	v48 =	vand.u32 $0x7F, v58;
	v49 =	vand.u32 $0xFFFFFC00, v59  }
0x129: {  	v48 =	vor.u32 v48, v49  }
0x12a: {  	v48 =	vadd.s32 v2, v48;
	_ =	sdelay $0x4  }
0x12b: {  	[tilespmem:v48+s2+$0x0] =	vst.idx.msk $0xffff, v1  }
0x12c: {  	v48 =	vld.idx.msk [tilespmem:v3+s10+$0x0], $0xffff;
	_ =	sdelay $0x4  }
0x12d: {  	v60 =	vshll.u32 v48, $0x3  }
0x12e: {  	v48 =	vand.u32 $0x7F, v48;
	v49 =	vand.u32 $0xFFFFFC00, v60  }
0x12f: {  	v48 =	vor.u32 v48, v49  }
0x130: {  	v48 =	vadd.s32 v2, v48;
	_ =	sdelay $0x4  }
0x131: {  	[tilespmem:v48+s2+$0x0] =	vst.idx.msk $0xffff, v1  }
0x132: {  	v48 =	vld.idx.msk [tilespmem:v4+s10+$0x0], $0xffff;
	_ =	sdelay $0x4  }
0x133: {  	v61 =	vshll.u32 v48, $0x3  }
0x134: {  	v48 =	vand.u32 $0x7F, v48;
	v49 =	vand.u32 $0xFFFFFC00, v61  }
0x135: {  	v48 =	vor.u32 v48, v49  }
0x136: {  	v48 =	vadd.s32 v2, v48;
	_ =	sdelay $0x4  }
0x137: {  	[tilespmem:v48+s2+$0x0] =	vst.idx.msk $0xffff, v1  }
0x138: {  	v48 =	vld.idx.msk [tilespmem:v5+s10+$0x0], $0xffff;
	_ =	sdelay $0x4  }
0x139: {  	v62 =	vshll.u32 v48, $0x3  }
0x13a: {  	v48 =	vand.u32 $0x7F, v48;
	v49 =	vand.u32 $0xFFFFFC00, v62  }
0x13b: {  	v48 =	vor.u32 v48, v49  }
0x13c: {  	v48 =	vadd.s32 v2, v48;
	_ =	sdelay $0x4  }
0x13d: {  	[tilespmem:v48+s2+$0x0] =	vst.idx.msk $0xffff, v1  }
0x13e: {  	v48 =	vld.idx.msk [tilespmem:v6+s10+$0x0], $0xffff;
	_ =	sdelay $0x4  }
0x13f: {  	v63 =	vshll.u32 v48, $0x3  }
0x140: {  	v48 =	vand.u32 $0x7F, v48;
	v49 =	vand.u32 $0xFFFFFC00, v63  }
0x141: {  	v48 =	vor.u32 v48, v49  }
0x142: {  	v48 =	vadd.s32 v2, v48;
	_ =	sdelay $0x4  }
0x143: {  	[tilespmem:v48+s2+$0x0] =	vst.idx.msk $0xffff, v1  }
0x144: {  	v48 =	vld.idx.msk [tilespmem:v7+s10+$0x0], $0xffff;
	_ =	sdelay $0x4  }
0x145: {  	v52 =	vshll.u32 v48, $0x3  }
0x146: {  	v48 =	vand.u32 $0x7F, v48;
	v49 =	vand.u32 $0xFFFFFC00, v52  }
0x147: {  	v48 =	vor.u32 v48, v49  }
0x148: {  	v48 =	vadd.s32 v2, v48;
	_ =	sdelay $0x4  }
0x149: {  	[tilespmem:v48+s2+$0x0] =	vst.idx.msk $0xffff, v1  }
0x14a: {  	v48 =	vld.idx.msk [tilespmem:v8+s10+$0x0], $0xffff;
	_ =	sdelay $0x4  }
0x14b: {  	v53 =	vshll.u32 v48, $0x3  }
0x14c: {  	v48 =	vand.u32 $0x7F, v48;
	v49 =	vand.u32 $0xFFFFFC00, v53  }
0x14d: {  	v48 =	vor.u32 v48, v49  }
0x14e: {  	v48 =	vadd.s32 v2, v48;
	_ =	sdelay $0x4  }
0x14f: {  	[tilespmem:v48+s2+$0x0] =	vst.idx.msk $0xffff, v1  }
0x150: {  	v48 =	vld.idx.msk [tilespmem:v9+s10+$0x0], $0xffff;
	_ =	sdelay $0x4  }
0x151: {  	v54 =	vshll.u32 v48, $0x3  }
0x152: {  	v48 =	vand.u32 $0x7F, v48;
	v49 =	vand.u32 $0xFFFFFC00, v54  }
0x153: {  	v48 =	vor.u32 v48, v49  }
0x154: {  	v48 =	vadd.s32 v2, v48;
	_ =	sdelay $0x4  }
0x155: {  	[tilespmem:v48+s2+$0x0] =	vst.idx.msk $0xffff, v1  }
0x156: {  	v48 =	vld.idx.msk [tilespmem:v10+s10+$0x0], $0xffff;
	_ =	sdelay $0x4  }
0x157: {  	v55 =	vshll.u32 v48, $0x3  }
0x158: {  	v48 =	vand.u32 $0x7F, v48;
	v49 =	vand.u32 $0xFFFFFC00, v55  }
0x159: {  	v48 =	vor.u32 v48, v49  }
0x15a: {  	v48 =	vadd.s32 v2, v48;
	_ =	sdelay $0x4  }
0x15b: {  	[tilespmem:v48+s2+$0x0] =	vst.idx.msk $0xffff, v1  }
0x15c: {  	v48 =	vld.idx.msk [tilespmem:v11+s10+$0x0], $0xffff;
	_ =	sdelay $0x4  }
0x15d: {  	v56 =	vshll.u32 v48, $0x3  }
0x15e: {  	v48 =	vand.u32 $0x7F, v48;
	v49 =	vand.u32 $0xFFFFFC00, v56  }
0x15f: {  	v48 =	vor.u32 v48, v49  }
0x160: {  	v48 =	vadd.s32 v2, v48;
	_ =	sdelay $0x4  }
0x161: {  	[tilespmem:v48+s2+$0x0] =	vst.idx.msk $0xffff, v1  }
0x162: {  	v48 =	vld.idx.msk [tilespmem:v12+s10+$0x0], $0xffff;
	_ =	sdelay $0x4  }
0x163: {  	v57 =	vshll.u32 v48, $0x3  }
0x164: {  	v48 =	vand.u32 $0x7F, v48;
	v49 =	vand.u32 $0xFFFFFC00, v57  }
0x165: {  	v48 =	vor.u32 v48, v49  }
0x166: {  	v48 =	vadd.s32 v2, v48;
	_ =	sdelay $0x4  }
0x167: {  	[tilespmem:v48+s2+$0x0] =	vst.idx.msk $0xffff, v1  }
0x168: {  	v48 =	vld.idx.msk [tilespmem:v13+s10+$0x0], $0xffff;
	_ =	sdelay $0x4  }
0x169: {  	v58 =	vshll.u32 v48, $0x3  }
0x16a: {  	v48 =	vand.u32 $0x7F, v48;
	v49 =	vand.u32 $0xFFFFFC00, v58  }
0x16b: {  	v48 =	vor.u32 v48, v49  }
0x16c: {  	v48 =	vadd.s32 v2, v48;
	_ =	sdelay $0x4  }
0x16d: {  	[tilespmem:v48+s2+$0x0] =	vst.idx.msk $0xffff, v1  }
0x16e: {  	v48 =	vld.idx.msk [tilespmem:v14+s10+$0x0], $0xffff;
	_ =	sdelay $0x4  }
0x16f: {  	v59 =	vshll.u32 v48, $0x3  }
0x170: {  	v48 =	vand.u32 $0x7F, v48;
	v49 =	vand.u32 $0xFFFFFC00, v59  }
0x171: {  	v48 =	vor.u32 v48, v49  }
0x172: {  	v48 =	vadd.s32 v2, v48;
	_ =	sdelay $0x4  }
0x173: {  	[tilespmem:v48+s2+$0x0] =	vst.idx.msk $0xffff, v1  }
0x174: {  	v48 =	vld.idx.msk [tilespmem:v15+s10+$0x0], $0xffff;
	_ =	sdelay $0x4  }
0x175: {  	v60 =	vshll.u32 v48, $0x3  }
0x176: {  	v48 =	vand.u32 $0x7F, v48;
	v49 =	vand.u32 $0xFFFFFC00, v60  }
0x177: {  	v48 =	vor.u32 v48, v49  }
0x178: {  	v48 =	vadd.s32 v2, v48;
	_ =	sdelay $0x4  }
0x179: {  	[tilespmem:v48+s2+$0x0] =	vst.idx.msk $0xffff, v1  }
0x17a: {  	v48 =	vld.idx.msk [tilespmem:v16+s10+$0x0], $0xffff;
	_ =	sdelay $0x4  }
0x17b: {  	v61 =	vshll.u32 v48, $0x3  }
0x17c: {  	v48 =	vand.u32 $0x7F, v48;
	v49 =	vand.u32 $0xFFFFFC00, v61  }
0x17d: {  	v48 =	vor.u32 v48, v49  }
0x17e: {  	v48 =	vadd.s32 v2, v48;
	_ =	sdelay $0x4  }
0x17f: {  	[tilespmem:v48+s2+$0x0] =	vst.idx.msk $0xffff, v1  }
0x180: {  	v48 =	vld.idx.msk [tilespmem:v17+s10+$0x0], $0xffff;
	_ =	sdelay $0x4  }
0x181: {  	v62 =	vshll.u32 v48, $0x3  }
0x182: {  	v48 =	vand.u32 $0x7F, v48;
	v49 =	vand.u32 $0xFFFFFC00, v62  }
0x183: {  	v48 =	vor.u32 v48, v49  }
0x184: {  	v48 =	vadd.s32 v2, v48;
	_ =	sdelay $0x4  }
0x185: {  	[tilespmem:v48+s2+$0x0] =	vst.idx.msk $0xffff, v1  }
0x186: {  	v48 =	vld.idx.msk [tilespmem:v34+s10+$0x0], $0xffff;
	_ =	sdelay $0x4  }
0x187: {  	v63 =	vshll.u32 v48, $0x3  }
0x188: {  	v48 =	vand.u32 $0x7F, v48;
	v49 =	vand.u32 $0xFFFFFC00, v63  }
0x189: {  	v48 =	vor.u32 v48, v49  }
0x18a: {  	v52 =	vld.idx.msk [tilespmem:v34+s11+$0x0], $0xffff;
	v48 =	vadd.s32 v2, v48;
	_ =	sdelay $0x4  }
0x18b: {  	[tilespmem:v48+s2+$0x0] =	vst.idx.add.f32.msk $0xffff, v52  }
0x18c: {  	v48 =	vld.idx.msk [tilespmem:v35+s10+$0x0], $0xffff;
	_ =	sdelay $0x4  }
0x18d: {  	v53 =	vshll.u32 v48, $0x3  }
0x18e: {  	v48 =	vand.u32 $0x7F, v48;
	v49 =	vand.u32 $0xFFFFFC00, v53  }
0x18f: {  	v48 =	vor.u32 v48, v49  }
0x190: {  	v54 =	vld.idx.msk [tilespmem:v35+s11+$0x0], $0xffff;
	v48 =	vadd.s32 v2, v48;
	_ =	sdelay $0x4  }
0x191: {  	[tilespmem:v48+s2+$0x0] =	vst.idx.add.f32.msk $0xffff, v54  }
0x192: {  	v48 =	vld.idx.msk [tilespmem:v36+s10+$0x0], $0xffff;
	_ =	sdelay $0x4  }
0x193: {  	v55 =	vshll.u32 v48, $0x3  }
0x194: {  	v48 =	vand.u32 $0x7F, v48;
	v49 =	vand.u32 $0xFFFFFC00, v55  }
0x195: {  	v48 =	vor.u32 v48, v49  }
0x196: {  	v56 =	vld.idx.msk [tilespmem:v36+s11+$0x0], $0xffff;
	v48 =	vadd.s32 v2, v48;
	_ =	sdelay $0x4  }
0x197: {  	[tilespmem:v48+s2+$0x0] =	vst.idx.add.f32.msk $0xffff, v56  }
0x198: {  	v48 =	vld.idx.msk [tilespmem:v37+s10+$0x0], $0xffff;
	_ =	sdelay $0x4  }
0x199: {  	v57 =	vshll.u32 v48, $0x3  }
0x19a: {  	v48 =	vand.u32 $0x7F, v48;
	v49 =	vand.u32 $0xFFFFFC00, v57  }
0x19b: {  	v48 =	vor.u32 v48, v49  }
0x19c: {  	v58 =	vld.idx.msk [tilespmem:v37+s11+$0x0], $0xffff;
	v48 =	vadd.s32 v2, v48;
	_ =	sdelay $0x4  }
0x19d: {  	[tilespmem:v48+s2+$0x0] =	vst.idx.add.f32.msk $0xffff, v58  }
0x19e: {  	v48 =	vld.idx.msk [tilespmem:v38+s10+$0x0], $0xffff;
	_ =	sdelay $0x4  }
0x19f: {  	v59 =	vshll.u32 v48, $0x3  }
0x1a0: {  	v48 =	vand.u32 $0x7F, v48;
	v49 =	vand.u32 $0xFFFFFC00, v59  }
0x1a1: {  	v48 =	vor.u32 v48, v49  }
0x1a2: {  	v60 =	vld.idx.msk [tilespmem:v38+s11+$0x0], $0xffff;
	v48 =	vadd.s32 v2, v48;
	_ =	sdelay $0x4  }
0x1a3: {  	[tilespmem:v48+s2+$0x0] =	vst.idx.add.f32.msk $0xffff, v60  }
0x1a4: {  	v48 =	vld.idx.msk [tilespmem:v39+s10+$0x0], $0xffff;
	_ =	sdelay $0x4  }
0x1a5: {  	v61 =	vshll.u32 v48, $0x3  }
0x1a6: {  	v48 =	vand.u32 $0x7F, v48;
	v49 =	vand.u32 $0xFFFFFC00, v61  }
0x1a7: {  	v48 =	vor.u32 v48, v49  }
0x1a8: {  	v62 =	vld.idx.msk [tilespmem:v39+s11+$0x0], $0xffff;
	v48 =	vadd.s32 v2, v48;
	_ =	sdelay $0x4  }
0x1a9: {  	[tilespmem:v48+s2+$0x0] =	vst.idx.add.f32.msk $0xffff, v62  }
0x1aa: {  	v48 =	vld.idx.msk [tilespmem:v40+s10+$0x0], $0xffff;
	_ =	sdelay $0x4  }
0x1ab: {  	v63 =	vshll.u32 v48, $0x3  }
0x1ac: {  	v48 =	vand.u32 $0x7F, v48;
	v49 =	vand.u32 $0xFFFFFC00, v63  }
0x1ad: {  	v48 =	vor.u32 v48, v49  }
0x1ae: {  	v52 =	vld.idx.msk [tilespmem:v40+s11+$0x0], $0xffff;
	v48 =	vadd.s32 v2, v48;
	_ =	sdelay $0x4  }
0x1af: {  	[tilespmem:v48+s2+$0x0] =	vst.idx.add.f32.msk $0xffff, v52  }
0x1b0: {  	v48 =	vld.idx.msk [tilespmem:v41+s10+$0x0], $0xffff;
	_ =	sdelay $0x4  }
0x1b1: {  	v53 =	vshll.u32 v48, $0x3  }
0x1b2: {  	v48 =	vand.u32 $0x7F, v48;
	v49 =	vand.u32 $0xFFFFFC00, v53  }
0x1b3: {  	v48 =	vor.u32 v48, v49  }
0x1b4: {  	v54 =	vld.idx.msk [tilespmem:v41+s11+$0x0], $0xffff;
	v48 =	vadd.s32 v2, v48;
	_ =	sdelay $0x4  }
0x1b5: {  	[tilespmem:v48+s2+$0x0] =	vst.idx.add.f32.msk $0xffff, v54  }
0x1b6: {  	v48 =	vld.idx.msk [tilespmem:v42+s10+$0x0], $0xffff;
	_ =	sdelay $0x4  }
0x1b7: {  	v55 =	vshll.u32 v48, $0x3  }
0x1b8: {  	v48 =	vand.u32 $0x7F, v48;
	v49 =	vand.u32 $0xFFFFFC00, v55  }
0x1b9: {  	v48 =	vor.u32 v48, v49  }
0x1ba: {  	v56 =	vld.idx.msk [tilespmem:v42+s11+$0x0], $0xffff;
	v48 =	vadd.s32 v2, v48;
	_ =	sdelay $0x4  }
0x1bb: {  	[tilespmem:v48+s2+$0x0] =	vst.idx.add.f32.msk $0xffff, v56  }
0x1bc: {  	v48 =	vld.idx.msk [tilespmem:v43+s10+$0x0], $0xffff;
	_ =	sdelay $0x4  }
0x1bd: {  	v57 =	vshll.u32 v48, $0x3  }
0x1be: {  	v48 =	vand.u32 $0x7F, v48;
	v49 =	vand.u32 $0xFFFFFC00, v57  }
0x1bf: {  	v48 =	vor.u32 v48, v49  }
0x1c0: {  	v58 =	vld.idx.msk [tilespmem:v43+s11+$0x0], $0xffff;
	v48 =	vadd.s32 v2, v48;
	_ =	sdelay $0x4  }
0x1c1: {  	[tilespmem:v48+s2+$0x0] =	vst.idx.add.f32.msk $0xffff, v58  }
0x1c2: {  	v48 =	vld.idx.msk [tilespmem:v44+s10+$0x0], $0xffff;
	_ =	sdelay $0x4  }
0x1c3: {  	v59 =	vshll.u32 v48, $0x3  }
0x1c4: {  	v48 =	vand.u32 $0x7F, v48;
	v49 =	vand.u32 $0xFFFFFC00, v59  }
0x1c5: {  	v48 =	vor.u32 v48, v49  }
0x1c6: {  	v60 =	vld.idx.msk [tilespmem:v44+s11+$0x0], $0xffff;
	v48 =	vadd.s32 v2, v48;
	_ =	sdelay $0x4  }
0x1c7: {  	[tilespmem:v48+s2+$0x0] =	vst.idx.add.f32.msk $0xffff, v60  }
0x1c8: {  	v48 =	vld.idx.msk [tilespmem:v45+s10+$0x0], $0xffff;
	_ =	sdelay $0x4  }
0x1c9: {  	v61 =	vshll.u32 v48, $0x3  }
0x1ca: {  	v48 =	vand.u32 $0x7F, v48;
	v49 =	vand.u32 $0xFFFFFC00, v61  }
0x1cb: {  	v48 =	vor.u32 v48, v49  }
0x1cc: {  	v62 =	vld.idx.msk [tilespmem:v45+s11+$0x0], $0xffff;
	v48 =	vadd.s32 v2, v48;
	_ =	sdelay $0x4  }
0x1cd: {  	[tilespmem:v48+s2+$0x0] =	vst.idx.add.f32.msk $0xffff, v62  }
0x1ce: {  	v48 =	vld.idx.msk [tilespmem:v46+s10+$0x0], $0xffff;
	_ =	sdelay $0x4  }
0x1cf: {  	v63 =	vshll.u32 v48, $0x3  }
0x1d0: {  	v48 =	vand.u32 $0x7F, v48;
	v49 =	vand.u32 $0xFFFFFC00, v63  }
0x1d1: {  	v48 =	vor.u32 v48, v49  }
0x1d2: {  	v52 =	vld.idx.msk [tilespmem:v46+s11+$0x0], $0xffff;
	v48 =	vadd.s32 v2, v48;
	_ =	sdelay $0x4  }
0x1d3: {  	[tilespmem:v48+s2+$0x0] =	vst.idx.add.f32.msk $0xffff, v52  }
0x1d4: {  	v48 =	vld.idx.msk [tilespmem:v47+s10+$0x0], $0xffff;
	_ =	sdelay $0x4  }
0x1d5: {  	v53 =	vshll.u32 v48, $0x3  }
0x1d6: {  	v48 =	vand.u32 $0x7F, v48;
	v49 =	vand.u32 $0xFFFFFC00, v53  }
0x1d7: {  	v48 =	vor.u32 v48, v49  }
0x1d8: {  	v54 =	vld.idx.msk [tilespmem:v47+s11+$0x0], $0xffff;
	v48 =	vadd.s32 v2, v48  }
0x1d9: {  	v50 =	vor.u32 $0x20E, v0;
	_ =	sdelay $0x3  }
0x1da: {  	[tilespmem:v48+s2+$0x0] =	vst.idx.add.f32.msk $0xffff, v54  }
0x1db: {  	v48 =	vld.idx.msk [tilespmem:v50+s10+$0x0], $0xffff;
	_ =	sdelay $0x4  }
0x1dc: {  	v55 =	vshll.u32 v48, $0x3  }
0x1dd: {  	v48 =	vand.u32 $0x7F, v48;
	v49 =	vand.u32 $0xFFFFFC00, v55  }
0x1de: {  	v48 =	vor.u32 v48, v49  }
0x1df: {  	v56 =	vld.idx.msk [tilespmem:v50+s11+$0x0], $0xffff;
	v48 =	vadd.s32 v2, v48  }
0x1e0: {  	v57 =	vor.u32 $0x20F, v0;
	_ =	sdelay $0x3  }
0x1e1: {  	[tilespmem:v48+s2+$0x0] =	vst.idx.add.f32.msk $0xffff, v56  }
0x1e2: {  	v48 =	vld.idx.msk [tilespmem:v57+s10+$0x0], $0xffff;
	_ =	sdelay $0x4  }
0x1e3: {  	v58 =	vshll.u32 v48, $0x3  }
0x1e4: {  	v48 =	vand.u32 $0x7F, v48;
	v49 =	vand.u32 $0xFFFFFC00, v58  }
0x1e5: {  	v48 =	vor.u32 v48, v49  }
0x1e6: {  	v59 =	vld.idx.msk [tilespmem:v57+s11+$0x0], $0xffff;
	v48 =	vadd.s32 v2, v48;
	_ =	sdelay $0x4  }
0x1e7: {  	[tilespmem:v48+s2+$0x0] =	vst.idx.add.f32.msk $0xffff, v59  }
0x1e8: {  	[hbm4b:s7+s2] =	stream.linear.scatter [tilespmem:s2], [sflag:$0x1], $0x8000, $0x38;
	[tilespmem:$0x10800] =	vst v63  }
0x1e9: {  	_ =	swait.ge [sflag:s13], $0x8000  }
0x1ea: {  	[sflag:s13] =	ssyncset.done $0x0  }
0x1eb: {  	[sflag:s13] =	ssyncadd.s32 $0xFFFF8000  }
0x1ec: {  	v60 =	vld.idx.msk [tilespmem:v18+s10+$0x0], $0xffff;
	_ =	sdelay $0x4  }
0x1ed: {  	v61 =	vshll.u32 v60, $0x3  }
0x1ee: {  	v48 =	vand.u32 $0x7F, v60;
	v49 =	vand.u32 $0xFFFFFC00, v61  }
0x1ef: {  	v48 =	vor.u32 v48, v49  }
0x1f0: {  	v48 =	vadd.s32 v2, v48;
	_ =	sdelay $0x4  }
0x1f1: {  	[tilespmem:v48+s14+$0x0] =	vst.idx.msk $0xffff, v1  }
0x1f2: {  	v48 =	vld.idx.msk [tilespmem:v19+s10+$0x0], $0xffff;
	_ =	sdelay $0x4  }
0x1f3: {  	v62 =	vshll.u32 v48, $0x3  }
0x1f4: {  	v48 =	vand.u32 $0x7F, v48;
	v49 =	vand.u32 $0xFFFFFC00, v62  }
0x1f5: {  	v48 =	vor.u32 v48, v49  }
0x1f6: {  	v48 =	vadd.s32 v2, v48;
	_ =	sdelay $0x4  }
0x1f7: {  	[tilespmem:v48+s14+$0x0] =	vst.idx.msk $0xffff, v1  }
0x1f8: {  	v48 =	vld.idx.msk [tilespmem:v20+s10+$0x0], $0xffff;
	_ =	sdelay $0x4  }
0x1f9: {  	v63 =	vshll.u32 v48, $0x3  }
0x1fa: {  	v48 =	vand.u32 $0x7F, v48;
	v49 =	vand.u32 $0xFFFFFC00, v63  }
0x1fb: {  	v48 =	vor.u32 v48, v49  }
0x1fc: {  	v48 =	vadd.s32 v2, v48;
	_ =	sdelay $0x4  }
0x1fd: {  	[tilespmem:v48+s14+$0x0] =	vst.idx.msk $0xffff, v1  }
0x1fe: {  	v48 =	vld.idx.msk [tilespmem:v21+s10+$0x0], $0xffff;
	_ =	sdelay $0x4  }
0x1ff: {  	v52 =	vshll.u32 v48, $0x3  }
0x200: {  	v48 =	vand.u32 $0x7F, v48;
	v49 =	vand.u32 $0xFFFFFC00, v52  }
0x201: {  	v48 =	vor.u32 v48, v49  }
0x202: {  	v48 =	vadd.s32 v2, v48;
	_ =	sdelay $0x4  }
0x203: {  	[tilespmem:v48+s14+$0x0] =	vst.idx.msk $0xffff, v1  }
0x204: {  	v48 =	vld.idx.msk [tilespmem:v22+s10+$0x0], $0xffff;
	_ =	sdelay $0x4  }
0x205: {  	v53 =	vshll.u32 v48, $0x3  }
0x206: {  	v48 =	vand.u32 $0x7F, v48;
	v49 =	vand.u32 $0xFFFFFC00, v53  }
0x207: {  	v48 =	vor.u32 v48, v49  }
0x208: {  	v48 =	vadd.s32 v2, v48;
	_ =	sdelay $0x4  }
0x209: {  	[tilespmem:v48+s14+$0x0] =	vst.idx.msk $0xffff, v1  }
0x20a: {  	v48 =	vld.idx.msk [tilespmem:v23+s10+$0x0], $0xffff;
	_ =	sdelay $0x4  }
0x20b: {  	v54 =	vshll.u32 v48, $0x3  }
0x20c: {  	v48 =	vand.u32 $0x7F, v48;
	v49 =	vand.u32 $0xFFFFFC00, v54  }
0x20d: {  	v48 =	vor.u32 v48, v49  }
0x20e: {  	v48 =	vadd.s32 v2, v48;
	_ =	sdelay $0x4  }
0x20f: {  	[tilespmem:v48+s14+$0x0] =	vst.idx.msk $0xffff, v1  }
0x210: {  	v48 =	vld.idx.msk [tilespmem:v24+s10+$0x0], $0xffff;
	_ =	sdelay $0x4  }
0x211: {  	v55 =	vshll.u32 v48, $0x3  }
0x212: {  	v48 =	vand.u32 $0x7F, v48;
	v49 =	vand.u32 $0xFFFFFC00, v55  }
0x213: {  	v48 =	vor.u32 v48, v49  }
0x214: {  	v48 =	vadd.s32 v2, v48;
	_ =	sdelay $0x4  }
0x215: {  	[tilespmem:v48+s14+$0x0] =	vst.idx.msk $0xffff, v1  }
0x216: {  	v48 =	vld.idx.msk [tilespmem:v25+s10+$0x0], $0xffff;
	_ =	sdelay $0x4  }
0x217: {  	v56 =	vshll.u32 v48, $0x3  }
0x218: {  	v48 =	vand.u32 $0x7F, v48;
	v49 =	vand.u32 $0xFFFFFC00, v56  }
0x219: {  	v48 =	vor.u32 v48, v49  }
0x21a: {  	v48 =	vadd.s32 v2, v48;
	_ =	sdelay $0x4  }
0x21b: {  	[tilespmem:v48+s14+$0x0] =	vst.idx.msk $0xffff, v1  }
0x21c: {  	v48 =	vld.idx.msk [tilespmem:v26+s10+$0x0], $0xffff;
	_ =	sdelay $0x4  }
0x21d: {  	v57 =	vshll.u32 v48, $0x3  }
0x21e: {  	v48 =	vand.u32 $0x7F, v48;
	v49 =	vand.u32 $0xFFFFFC00, v57  }
0x21f: {  	v48 =	vor.u32 v48, v49  }
0x220: {  	v48 =	vadd.s32 v2, v48;
	_ =	sdelay $0x4  }
0x221: {  	[tilespmem:v48+s14+$0x0] =	vst.idx.msk $0xffff, v1  }
0x222: {  	v48 =	vld.idx.msk [tilespmem:v27+s10+$0x0], $0xffff;
	_ =	sdelay $0x4  }
0x223: {  	v58 =	vshll.u32 v48, $0x3  }
0x224: {  	v48 =	vand.u32 $0x7F, v48;
	v49 =	vand.u32 $0xFFFFFC00, v58  }
0x225: {  	v48 =	vor.u32 v48, v49  }
0x226: {  	v48 =	vadd.s32 v2, v48;
	_ =	sdelay $0x4  }
0x227: {  	[tilespmem:v48+s14+$0x0] =	vst.idx.msk $0xffff, v1  }
0x228: {  	v48 =	vld.idx.msk [tilespmem:v28+s10+$0x0], $0xffff;
	_ =	sdelay $0x4  }
0x229: {  	v59 =	vshll.u32 v48, $0x3  }
0x22a: {  	v48 =	vand.u32 $0x7F, v48;
	v49 =	vand.u32 $0xFFFFFC00, v59  }
0x22b: {  	v48 =	vor.u32 v48, v49  }
0x22c: {  	v48 =	vadd.s32 v2, v48;
	_ =	sdelay $0x4  }
0x22d: {  	[tilespmem:v48+s14+$0x0] =	vst.idx.msk $0xffff, v1  }
0x22e: {  	v48 =	vld.idx.msk [tilespmem:v29+s10+$0x0], $0xffff;
	_ =	sdelay $0x4  }
0x22f: {  	v60 =	vshll.u32 v48, $0x3  }
0x230: {  	v48 =	vand.u32 $0x7F, v48;
	v49 =	vand.u32 $0xFFFFFC00, v60  }
0x231: {  	v48 =	vor.u32 v48, v49  }
0x232: {  	v48 =	vadd.s32 v2, v48;
	_ =	sdelay $0x4  }
0x233: {  	[tilespmem:v48+s14+$0x0] =	vst.idx.msk $0xffff, v1  }
0x234: {  	v48 =	vld.idx.msk [tilespmem:v30+s10+$0x0], $0xffff;
	_ =	sdelay $0x4  }
0x235: {  	v61 =	vshll.u32 v48, $0x3  }
0x236: {  	v48 =	vand.u32 $0x7F, v48;
	v49 =	vand.u32 $0xFFFFFC00, v61  }
0x237: {  	v48 =	vor.u32 v48, v49  }
0x238: {  	v48 =	vadd.s32 v2, v48;
	_ =	sdelay $0x4  }
0x239: {  	[tilespmem:v48+s14+$0x0] =	vst.idx.msk $0xffff, v1  }
0x23a: {  	v48 =	vld.idx.msk [tilespmem:v31+s10+$0x0], $0xffff;
	_ =	sdelay $0x4  }
0x23b: {  	v62 =	vshll.u32 v48, $0x3  }
0x23c: {  	v48 =	vand.u32 $0x7F, v48;
	v49 =	vand.u32 $0xFFFFFC00, v62  }
0x23d: {  	v48 =	vor.u32 v48, v49  }
0x23e: {  	v48 =	vadd.s32 v2, v48;
	_ =	sdelay $0x4  }
0x23f: {  	[tilespmem:v48+s14+$0x0] =	vst.idx.msk $0xffff, v1  }
0x240: {  	v48 =	vld.idx.msk [tilespmem:v32+s10+$0x0], $0xffff;
	_ =	sdelay $0x4  }
0x241: {  	v63 =	vshll.u32 v48, $0x3  }
0x242: {  	v48 =	vand.u32 $0x7F, v48;
	v49 =	vand.u32 $0xFFFFFC00, v63  }
0x243: {  	v48 =	vor.u32 v48, v49  }
0x244: {  	v48 =	vadd.s32 v2, v48;
	_ =	sdelay $0x4  }
0x245: {  	[tilespmem:v48+s14+$0x0] =	vst.idx.msk $0xffff, v1  }
0x246: {  	v48 =	vld.idx.msk [tilespmem:v33+s10+$0x0], $0xffff;
	_ =	sdelay $0x4  }
0x247: {  	v52 =	vshll.u32 v48, $0x3  }
0x248: {  	v48 =	vand.u32 $0x7F, v48;
	v49 =	vand.u32 $0xFFFFFC00, v52  }
0x249: {  	v48 =	vor.u32 v48, v49  }
0x24a: {  	v48 =	vadd.s32 v2, v48  }
0x24b: {  	v53 =	vor.u32 $0x300, v0;
	_ =	sdelay $0x3  }
0x24c: {  	[tilespmem:v48+s14+$0x0] =	vst.idx.msk $0xffff, v1  }
0x24d: {  	v48 =	vld.idx.msk [tilespmem:v53+s10+$0x0], $0xffff;
	_ =	sdelay $0x4  }
0x24e: {  	v54 =	vshll.u32 v48, $0x3  }
0x24f: {  	v48 =	vand.u32 $0x7F, v48;
	v50 =	vand.u32 $0xFFFFFC00, v54  }
0x250: {  	v48 =	vor.u32 v48, v50  }
0x251: {  	v49 =	vld.idx.msk [tilespmem:v53+s11+$0x0], $0xffff;
	v48 =	vadd.s32 v2, v48  }
0x252: {  	v55 =	vor.u32 $0x301, v0;
	_ =	sdelay $0x3  }
0x253: {  	[tilespmem:v48+s14+$0x0] =	vst.idx.add.f32.msk $0xffff, v49  }
0x254: {  	v48 =	vld.idx.msk [tilespmem:v55+s10+$0x0], $0xffff;
	_ =	sdelay $0x4  }
0x255: {  	v56 =	vshll.u32 v48, $0x3  }
0x256: {  	v48 =	vand.u32 $0x7F, v48;
	v49 =	vand.u32 $0xFFFFFC00, v56  }
0x257: {  	v48 =	vor.u32 v48, v49  }
0x258: {  	v57 =	vld.idx.msk [tilespmem:v55+s11+$0x0], $0xffff;
	v48 =	vadd.s32 v2, v48  }
0x259: {  	v58 =	vor.u32 $0x302, v0;
	_ =	sdelay $0x3  }
0x25a: {  	[tilespmem:v48+s14+$0x0] =	vst.idx.add.f32.msk $0xffff, v57  }
0x25b: {  	v48 =	vld.idx.msk [tilespmem:v58+s10+$0x0], $0xffff;
	_ =	sdelay $0x4  }
0x25c: {  	v59 =	vshll.u32 v48, $0x3  }
0x25d: {  	v48 =	vand.u32 $0x7F, v48;
	v49 =	vand.u32 $0xFFFFFC00, v59  }
0x25e: {  	v48 =	vor.u32 v48, v49  }
0x25f: {  	v60 =	vld.idx.msk [tilespmem:v58+s11+$0x0], $0xffff;
	v48 =	vadd.s32 v2, v48  }
0x260: {  	v61 =	vor.u32 $0x303, v0;
	_ =	sdelay $0x3  }
0x261: {  	[tilespmem:v48+s14+$0x0] =	vst.idx.add.f32.msk $0xffff, v60  }
0x262: {  	v48 =	vld.idx.msk [tilespmem:v61+s10+$0x0], $0xffff;
	_ =	sdelay $0x4  }
0x263: {  	v62 =	vshll.u32 v48, $0x3  }
0x264: {  	v48 =	vand.u32 $0x7F, v48;
	v49 =	vand.u32 $0xFFFFFC00, v62  }
0x265: {  	v48 =	vor.u32 v48, v49  }
0x266: {  	v63 =	vld.idx.msk [tilespmem:v61+s11+$0x0], $0xffff;
	v48 =	vadd.s32 v2, v48  }
0x267: {  	v52 =	vor.u32 $0x304, v0;
	_ =	sdelay $0x3  }
0x268: {  	[tilespmem:v48+s14+$0x0] =	vst.idx.add.f32.msk $0xffff, v63  }
0x269: {  	v48 =	vld.idx.msk [tilespmem:v52+s10+$0x0], $0xffff;
	_ =	sdelay $0x4  }
0x26a: {  	v53 =	vshll.u32 v48, $0x3  }
0x26b: {  	v48 =	vand.u32 $0x7F, v48;
	v49 =	vand.u32 $0xFFFFFC00, v53  }
0x26c: {  	v48 =	vor.u32 v48, v49  }
0x26d: {  	v54 =	vld.idx.msk [tilespmem:v52+s11+$0x0], $0xffff;
	v48 =	vadd.s32 v2, v48  }
0x26e: {  	v55 =	vor.u32 $0x305, v0;
	_ =	sdelay $0x3  }
0x26f: {  	[tilespmem:v48+s14+$0x0] =	vst.idx.add.f32.msk $0xffff, v54  }
0x270: {  	v48 =	vld.idx.msk [tilespmem:v55+s10+$0x0], $0xffff;
	_ =	sdelay $0x4  }
0x271: {  	v56 =	vshll.u32 v48, $0x3  }
0x272: {  	v48 =	vand.u32 $0x7F, v48;
	v49 =	vand.u32 $0xFFFFFC00, v56  }
0x273: {  	v48 =	vor.u32 v48, v49  }
0x274: {  	v57 =	vld.idx.msk [tilespmem:v55+s11+$0x0], $0xffff;
	v48 =	vadd.s32 v2, v48  }
0x275: {  	v58 =	vor.u32 $0x306, v0;
	_ =	sdelay $0x3  }
0x276: {  	[tilespmem:v48+s14+$0x0] =	vst.idx.add.f32.msk $0xffff, v57  }
0x277: {  	v48 =	vld.idx.msk [tilespmem:v58+s10+$0x0], $0xffff;
	_ =	sdelay $0x4  }
0x278: {  	v59 =	vshll.u32 v48, $0x3  }
0x279: {  	v48 =	vand.u32 $0x7F, v48;
	v49 =	vand.u32 $0xFFFFFC00, v59  }
0x27a: {  	v48 =	vor.u32 v48, v49  }
0x27b: {  	v60 =	vld.idx.msk [tilespmem:v58+s11+$0x0], $0xffff;
	v48 =	vadd.s32 v2, v48  }
0x27c: {  	v61 =	vor.u32 $0x307, v0;
	_ =	sdelay $0x3  }
0x27d: {  	[tilespmem:v48+s14+$0x0] =	vst.idx.add.f32.msk $0xffff, v60  }
0x27e: {  	v48 =	vld.idx.msk [tilespmem:v61+s10+$0x0], $0xffff;
	_ =	sdelay $0x4  }
0x27f: {  	v62 =	vshll.u32 v48, $0x3  }
0x280: {  	v48 =	vand.u32 $0x7F, v48;
	v49 =	vand.u32 $0xFFFFFC00, v62  }
0x281: {  	v48 =	vor.u32 v48, v49  }
0x282: {  	v63 =	vld.idx.msk [tilespmem:v61+s11+$0x0], $0xffff;
	v48 =	vadd.s32 v2, v48  }
0x283: {  	v52 =	vor.u32 $0x308, v0;
	_ =	sdelay $0x3  }
0x284: {  	[tilespmem:v48+s14+$0x0] =	vst.idx.add.f32.msk $0xffff, v63  }
0x285: {  	v48 =	vld.idx.msk [tilespmem:v52+s10+$0x0], $0xffff;
	_ =	sdelay $0x4  }
0x286: {  	v53 =	vshll.u32 v48, $0x3  }
0x287: {  	v48 =	vand.u32 $0x7F, v48;
	v49 =	vand.u32 $0xFFFFFC00, v53  }
0x288: {  	v48 =	vor.u32 v48, v49  }
0x289: {  	v54 =	vld.idx.msk [tilespmem:v52+s11+$0x0], $0xffff;
	v48 =	vadd.s32 v2, v48  }
0x28a: {  	v55 =	vor.u32 $0x309, v0;
	_ =	sdelay $0x3  }
0x28b: {  	[tilespmem:v48+s14+$0x0] =	vst.idx.add.f32.msk $0xffff, v54  }
0x28c: {  	v48 =	vld.idx.msk [tilespmem:v55+s10+$0x0], $0xffff;
	_ =	sdelay $0x4  }
0x28d: {  	v56 =	vshll.u32 v48, $0x3  }
0x28e: {  	v48 =	vand.u32 $0x7F, v48;
	v49 =	vand.u32 $0xFFFFFC00, v56  }
0x28f: {  	v48 =	vor.u32 v48, v49  }
0x290: {  	v57 =	vld.idx.msk [tilespmem:v55+s11+$0x0], $0xffff;
	v48 =	vadd.s32 v2, v48  }
0x291: {  	v58 =	vor.u32 $0x30A, v0;
	_ =	sdelay $0x3  }
0x292: {  	[tilespmem:v48+s14+$0x0] =	vst.idx.add.f32.msk $0xffff, v57  }
0x293: {  	v48 =	vld.idx.msk [tilespmem:v58+s10+$0x0], $0xffff;
	_ =	sdelay $0x4  }
0x294: {  	v59 =	vshll.u32 v48, $0x3  }
0x295: {  	v48 =	vand.u32 $0x7F, v48;
	v49 =	vand.u32 $0xFFFFFC00, v59  }
0x296: {  	v48 =	vor.u32 v48, v49  }
0x297: {  	v60 =	vld.idx.msk [tilespmem:v58+s11+$0x0], $0xffff;
	v48 =	vadd.s32 v2, v48  }
0x298: {  	v61 =	vor.u32 $0x30B, v0;
	_ =	sdelay $0x3  }
0x299: {  	[tilespmem:v48+s14+$0x0] =	vst.idx.add.f32.msk $0xffff, v60  }
0x29a: {  	v48 =	vld.idx.msk [tilespmem:v61+s10+$0x0], $0xffff;
	_ =	sdelay $0x4  }
0x29b: {  	v62 =	vshll.u32 v48, $0x3  }
0x29c: {  	v48 =	vand.u32 $0x7F, v48;
	v49 =	vand.u32 $0xFFFFFC00, v62  }
0x29d: {  	v48 =	vor.u32 v48, v49  }
0x29e: {  	v63 =	vld.idx.msk [tilespmem:v61+s11+$0x0], $0xffff;
	v48 =	vadd.s32 v2, v48  }
0x29f: {  	v52 =	vor.u32 $0x30C, v0;
	_ =	sdelay $0x3  }
0x2a0: {  	[tilespmem:v48+s14+$0x0] =	vst.idx.add.f32.msk $0xffff, v63  }
0x2a1: {  	v48 =	vld.idx.msk [tilespmem:v52+s10+$0x0], $0xffff;
	_ =	sdelay $0x4  }
0x2a2: {  	v53 =	vshll.u32 v48, $0x3  }
0x2a3: {  	v48 =	vand.u32 $0x7F, v48;
	v49 =	vand.u32 $0xFFFFFC00, v53  }
0x2a4: {  	v48 =	vor.u32 v48, v49  }
0x2a5: {  	v54 =	vld.idx.msk [tilespmem:v52+s11+$0x0], $0xffff;
	v48 =	vadd.s32 v2, v48  }
0x2a6: {  	v55 =	vor.u32 $0x30D, v0;
	_ =	sdelay $0x3  }
0x2a7: {  	[tilespmem:v48+s14+$0x0] =	vst.idx.add.f32.msk $0xffff, v54  }
0x2a8: {  	v48 =	vld.idx.msk [tilespmem:v55+s10+$0x0], $0xffff;
	_ =	sdelay $0x4  }
0x2a9: {  	v56 =	vshll.u32 v48, $0x3  }
0x2aa: {  	v48 =	vand.u32 $0x7F, v48;
	v49 =	vand.u32 $0xFFFFFC00, v56  }
0x2ab: {  	v48 =	vor.u32 v48, v49  }
0x2ac: {  	v57 =	vld.idx.msk [tilespmem:v55+s11+$0x0], $0xffff;
	v48 =	vadd.s32 v2, v48  }
0x2ad: {  	v58 =	vor.u32 $0x30E, v0;
	_ =	sdelay $0x3  }
0x2ae: {  	[tilespmem:v48+s14+$0x0] =	vst.idx.add.f32.msk $0xffff, v57  }
0x2af: {  	v48 =	vld.idx.msk [tilespmem:v58+s10+$0x0], $0xffff;
	_ =	sdelay $0x4  }
0x2b0: {  	v59 =	vshll.u32 v48, $0x3  }
0x2b1: {  	v48 =	vand.u32 $0x7F, v48;
	v49 =	vand.u32 $0xFFFFFC00, v59  }
0x2b2: {  	v48 =	vor.u32 v48, v49  }
0x2b3: {  	v60 =	vld.idx.msk [tilespmem:v58+s11+$0x0], $0xffff;
	v48 =	vadd.s32 v2, v48  }
0x2b4: {  	v61 =	vor.u32 $0x30F, v0;
	_ =	sdelay $0x3  }
0x2b5: {  	[tilespmem:v48+s14+$0x0] =	vst.idx.add.f32.msk $0xffff, v60  }
0x2b6: {  	v48 =	vld.idx.msk [tilespmem:v61+s10+$0x0], $0xffff;
	_ =	sdelay $0x4  }
0x2b7: {  	v62 =	vshll.u32 v48, $0x3  }
0x2b8: {  	v48 =	vand.u32 $0x7F, v48;
	v49 =	vand.u32 $0xFFFFFC00, v62  }
0x2b9: {  	v48 =	vor.u32 v48, v49  }
0x2ba: {  	v63 =	vld.idx.msk [tilespmem:v61+s11+$0x0], $0xffff;
	v48 =	vadd.s32 v2, v48;
	_ =	sdelay $0x4  }
0x2bb: {  	s15 =	sadd.s32 $0x1, s15;
	[tilespmem:v48+s14+$0x0] =	vst.idx.add.f32.msk $0xffff, v63  }
0x2bc: {  	[hbm4b:s8+s2] =	stream.linear.scatter [tilespmem:s14], [sflag:$0x2], $0x8000, $0x38;
	[tilespmem:$0x10800] =	vst v63  }
0x2bd: {  	p0 =	sne.s32 s15, s9;
	_ =	swait.ge [sflag:s12], $0x8000  }
.Ltmp4:
0x2be: {  	[sflag:s12] =	ssyncset.done $0x0;
	(pc) =	sbr.rel @p0 .LBB2_1-.Ltmp4, $4  }
0x2bf: {  	[sflag:s12] =	ssyncadd.s32 $0xFFFF8000  }
0x2c0: {  	_ =	swait.ge [sflag:s13], $0x8000  }
0x2c1: {  	[sflag:s13] =	ssyncset.done $0x0  }
0x2c2: {  	[sflag:s13] =	ssyncadd.s32 $0xFFFF8000  }
0x2c3: {  	_ =	sfence.sel $0x180000  }
0x2c4: {  	[bflag:$0x0] =	sbarrier.arrive $0xFFFF  }
0x2c5: {  	p0 =	sne.s32 s1, $0x0;
	_ =	strace $0x90000047  }
0x2c6: {  	s0 =	sadd.s32 @!p0 $0x100000, s0;
	[bflag:$0x2] =	sbarrier.arrive $0xFFFF  }
0x2c7: {  	[sflag:s0] =	ssyncadd.tile.s32 @!p0 $0x1;
	_ =	shalt  }
.Lfunc_end2:
_tile_overlayer_lowered:
.L_overlay_start_2:
0x2c8: {  	(tag) =	ssettag $0x2  }
0x2c9: {  	s0 =	rddreg [dreg:$0x0];
	s2 =	stileid.u32  }
0x2ca: {  	s1 =	rddreg [dreg:$0x1];
	p0 =	sne.s32 s2, $0x0  }
0x2cb: {  	s3 =	rddreg [dreg:$0x2];
	[bflag:$0x3] =	sbarrier.arrive $0xFFFF;
	s2 =	simm.s32 @!p0 $0x1C03  }
0x2cc: {  	[timem:s3], [sflag:s2] =	dma.local @!p0 [hbm:s0], s1  }
0x2cd: {  	s0 =	simm.s32 @!p0 $0x3  }
0x2ce: {  	_ =	swait.ge @!p0 [sflag:s0], s1  }
0x2cf: {  	s1 =	ssub.s32 @!p0 $0x0, s1;
	[sflag:s0] =	ssyncset.done @!p0 $0x0  }
0x2d0: {  	[sflag:s0] =	ssyncadd.s32 @!p0 s1  }
0x2d1: {  	[bflag:$0x3] =	sbarrier.arrive $0xFFFF  }
0x2d2: {  	_ =	shalt  }

</sc_bundles>
